<compile_context>
chip_gen: v7x
topology: tpu7x:2x2x1
jax: 0.10.2.dev20260603
libtpu: 0.0.44.dev20260713+nightly
codegen_flags: <defaults>
</compile_context>

<pallas_src>
import functools

import jax
import jax.numpy as jnp
from jax import lax
from jax.experimental import pallas as pl
from jax.experimental.pallas import tpu as pltpu
from jax.experimental.pallas import tpu_sc as plsc

N = 10000
E = 320000
H = 128
B = 64

NC = 2
NS = 16
NPAD = 10240
EPT = E // NS
CH = 125
NCHUNK = EPT // CH
RPT = NPAD // NS

_mesh = plsc.VectorSubcoreMesh(
    core_axis_name="c", subcore_axis_name="s", num_cores=NC, num_subcores=NS
)


@functools.partial(
    pl.kernel,
    out_type=jax.ShapeDtypeStruct((2 * NPAD, H), jnp.float32),
    mesh=_mesh,
    scratch_types=[
        [pltpu.VMEM((2, CH), jnp.int32)] * 4,
        [pltpu.VMEM((CH, H), jnp.float32)] * 2,
        pltpu.VMEM_SHARED((NPAD, H), jnp.float32),
        [pltpu.SemaphoreType.DMA] * 2,
        [pltpu.SemaphoreType.DMA] * 2,
    ],
)
def _sc_agg(x_hbm, gs_hbm, z_hbm, out_hbm, gsv, rows, acc_sh, semi, semg):
    c = lax.axis_index("c")
    s = lax.axis_index("s")
    pltpu.sync_copy(z_hbm.at[pl.ds(s * RPT, RPT)],
                    acc_sh.at[pl.ds(s * RPT, RPT)])
    plsc.subcore_barrier()

    def start_idx(j, q, p):
        pltpu.async_copy(gs_hbm.at[c, s, j], gsv[q], semi[p])

    def wait_idx(p):
        pltpu.make_async_copy(gs_hbm.at[c, s, 0], gsv[0], semi[p]).wait()

    def start_gather(q, b):
        pltpu.async_copy(x_hbm.at[gsv[q].at[0]], rows[b], semg[b])

    def wait_gather(b):
        pltpu.make_async_copy(x_hbm.at[gsv[0].at[0]], rows[b], semg[b]).wait()

    def scatter(q, b):
        pltpu.sync_copy(rows[b], acc_sh.at[gsv[q].at[1]], add=True)

    start_idx(0, 0, 0)
    start_idx(1, 1, 1)
    wait_idx(0)
    start_gather(0, 0)
    start_idx(2, 2, 0)

    @pl.loop(0, (NCHUNK - 4) // 4)
    def _grp(g):
        for t in range(4):
            j = 4 * g + t
            wait_idx((t + 1) % 2)
            start_gather((t + 1) % 4, 1 - (t % 2))
            pltpu.async_copy(gs_hbm.at[c, s, j + 3], gsv[(t + 3) % 4],
                             semi[(t + 3) % 2])
            wait_gather(t % 2)
            scatter(t % 4, t % 2)

    for j in range(NCHUNK - 4, NCHUNK):
        t = j % 4
        if j + 1 < NCHUNK:
            wait_idx((j + 1) % 2)
            start_gather((j + 1) % 4, 1 - (t % 2))
        if j + 3 < NCHUNK:
            start_idx(j + 3, (j + 3) % 4, (j + 3) % 2)
        wait_gather(t % 2)
        scatter(t % 4, t % 2)

    plsc.subcore_barrier()
    pltpu.sync_copy(acc_sh.at[pl.ds(s * RPT, RPT)],
                    out_hbm.at[pl.ds(c * NPAD + s * RPT, RPT)])


def _tc_body(x_r, ad_r, au_r, eps_r, dW1_r, dlns_r, dlnb_r, dW2_r, uW1_r,
             ulns_r, ulnb_r, uW2_r, l1s_r, l1b_r, l2s_r, l2b_r, de_r, cWd_r,
             cWu_r, cb_r, o_r):
    x = x_r[...]
    hp = jax.lax.Precision.DEFAULT

    def ln(h, s_, b_):
        m = jnp.mean(h, axis=-1, keepdims=True)
        v = jnp.mean((h - m) * (h - m), axis=-1, keepdims=True)
        return (h - m) * jax.lax.rsqrt(v + 1e-5) * s_ + b_

    def gin(agg, eps, W1, lns, lnb, W2):
        h = (1.0 + eps) * x + agg
        h = jnp.dot(h, W1, preferred_element_type=jnp.float32, precision=hp)
        h = jnp.maximum(ln(h, lns, lnb), 0.0)
        return jnp.dot(h, W2, preferred_element_type=jnp.float32, precision=hp)

    hd = gin(ad_r[...], eps_r[0, 0], dW1_r[...], dlns_r[...], dlnb_r[...],
             dW2_r[...])
    hd = ln(jnp.maximum(hd + de_r[0:1, :], 0.0), l1s_r[...], l1b_r[...])
    hu = gin(au_r[...], eps_r[0, 1], uW1_r[...], ulns_r[...], ulnb_r[...],
             uW2_r[...])
    hu = ln(jnp.maximum(hu + de_r[1:2, :], 0.0), l2s_r[...], l2b_r[...])
    o_r[...] = (
        jnp.dot(hd, cWd_r[...], preferred_element_type=jnp.float32,
                precision=hp)
        + jnp.dot(hu, cWu_r[...], preferred_element_type=jnp.float32,
                  precision=hp)
        + cb_r[...]
    )


def kernel(x, edge_index, down_W1, down_lns, down_lnb, down_W2, down_eps,
           up_W1, up_lns, up_lnb, up_W2, up_eps, ln1_s, ln1_b, ln2_s, ln2_b,
           dir_emb, comb_W, comb_b):
    g_idx = edge_index.reshape(2, NS, NCHUNK, CH)
    s_idx = edge_index[::-1].reshape(2, NS, NCHUNK, CH)
    gs_idx = jnp.stack([g_idx, s_idx], axis=3)
    zeros = jnp.zeros((NPAD, H), jnp.float32)

    aggs = _sc_agg(x, gs_idx, zeros)

    eps2 = jnp.stack([down_eps, up_eps]).reshape(1, 2)

    RB = 512
    grid = pl.cdiv(N, RB)
    row_spec = pl.BlockSpec((RB, H), lambda i: (i, 0))
    ad_spec = pl.BlockSpec((RB, H), lambda i: (i, 0))
    au_spec = pl.BlockSpec((RB, H), lambda i: (i + NPAD // RB, 0))

    def full(shape):
        return pl.BlockSpec(shape, lambda i: tuple(0 for _ in shape))

    out = pl.pallas_call(
        _tc_body,
        grid=(grid,),
        in_specs=[
            row_spec, ad_spec, au_spec,
            full((1, 2)),
            full((H, B)), full((1, B)), full((1, B)), full((B, H)),
            full((H, B)), full((1, B)), full((1, B)), full((B, H)),
            full((1, H)), full((1, H)), full((1, H)), full((1, H)),
            full((2, H)),
            full((H, H)), full((H, H)), full((1, H)),
        ],
        out_specs=row_spec,
        out_shape=jax.ShapeDtypeStruct((N, H), jnp.float32),
    )(
        x, aggs, aggs, eps2,
        down_W1, down_lns.reshape(1, B), down_lnb.reshape(1, B), down_W2,
        up_W1, up_lns.reshape(1, B), up_lnb.reshape(1, B), up_W2,
        ln1_s.reshape(1, H), ln1_b.reshape(1, H),
        ln2_s.reshape(1, H), ln2_b.reshape(1, H),
        dir_emb,
        comb_W[:H], comb_W[H:], comb_b.reshape(1, H),
    )
    return out

# --- scband reference (transcript-rebuilt; emitter-appended) ---
"""Pipeline reference for scband-down-up-layer-23596550324549 (READ-ONLY COPY).

The authoritative reference and input builder live on the scoring server;
editing this copy changes nothing except your own understanding.
"""

import jax, jax.numpy as jnp
import numpy as np

N = 10000
E = 320000
H = 128
B = 64

def _ln(x, s, b):
    m = jnp.mean(x, axis=-1, keepdims=True)
    v = jnp.var(x, axis=-1, keepdims=True)
    return (x - m) / jnp.sqrt(v + 1e-5) * s + b

def _gin(x, src, dst, eps, W1, lns, lnb, W2):
    agg = jax.ops.segment_sum(x[src], dst, num_segments=x.shape[0])
    h = (1.0 + eps) * x + agg
    h = h @ W1
    h = _ln(h, lns, lnb)
    h = jax.nn.relu(h)
    return h @ W2

def setup_inputs(seed: int = 0):
    key = jax.random.key(seed)
    ks = jax.random.split(key, 8)
    x = jax.random.normal(ks[0], (N, H), dtype=jnp.float32)
    edge_index = jax.random.randint(ks[1], (2, E), 0, N, dtype=jnp.int32)
    down_W1 = jax.random.normal(ks[2], (H, B), dtype=jnp.float32) / np.sqrt(H)
    down_W2 = jax.random.normal(ks[3], (B, H), dtype=jnp.float32) / np.sqrt(B)
    up_W1 = jax.random.normal(ks[4], (H, B), dtype=jnp.float32) / np.sqrt(H)
    up_W2 = jax.random.normal(ks[5], (B, H), dtype=jnp.float32) / np.sqrt(B)
    dir_emb = jax.random.normal(ks[6], (2, H), dtype=jnp.float32) * 0.02
    comb_W = jax.random.normal(ks[7], (2 * H, H), dtype=jnp.float32) / np.sqrt(2 * H)
    return {
        'x': x, 'edge_index': edge_index,
        'down_W1': down_W1, 'down_lns': jnp.ones((B,), jnp.float32), 'down_lnb': jnp.zeros((B,), jnp.float32), 'down_W2': down_W2, 'down_eps': jnp.float32(0.0),
        'up_W1': up_W1, 'up_lns': jnp.ones((B,), jnp.float32), 'up_lnb': jnp.zeros((B,), jnp.float32), 'up_W2': up_W2, 'up_eps': jnp.float32(0.0),
        'ln1_s': jnp.ones((H,), jnp.float32), 'ln1_b': jnp.zeros((H,), jnp.float32),
        'ln2_s': jnp.ones((H,), jnp.float32), 'ln2_b': jnp.zeros((H,), jnp.float32),
        'dir_emb': dir_emb, 'comb_W': comb_W, 'comb_b': jnp.zeros((H,), jnp.float32),
    }

def reference(x, edge_index, down_W1, down_lns, down_lnb, down_W2, down_eps, up_W1, up_lns, up_lnb, up_W2, up_eps, ln1_s, ln1_b, ln2_s, ln2_b, dir_emb, comb_W, comb_b):
    src, dst = edge_index[0], edge_index[1]
    hd = _gin(x, src, dst, down_eps, down_W1, down_lns, down_lnb, down_W2)
    h_down = _ln(jax.nn.relu(hd + dir_emb[0]), ln1_s, ln1_b)
    hu = _gin(x, dst, src, up_eps, up_W1, up_lns, up_lnb, up_W2)
    h_up = _ln(jax.nn.relu(hu + dir_emb[1]), ln2_s, ln2_b)
    h_cat = jnp.concatenate([h_down, h_up], axis=-1)
    return h_cat @ comb_W + comb_b

if __name__ == "__main__":
    import jax
    _d = setup_inputs()
    print(jax.jit(kernel)(*tuple(_d.values())))

</pallas_src>

<mosaic_0001>
#map = affine_map<(d0, d1) -> (0, 0)>
#map1 = affine_map<(d0, d1) -> (0, 0, 0, 0, 0)>
module attributes {stable_mosaic.version = 14 : i64} {
  func.func @_sc_agg(%arg0: i32, %arg1: i32, %arg2: memref<10000x128xf32, #tpu.memory_space<hbm>>, %arg3: memref<2x16x160x2x125xi32, #tpu.memory_space<hbm>>, %arg4: memref<10240x128xf32, #tpu.memory_space<hbm>>, %arg5: memref<20480x128xf32, #tpu.memory_space<hbm>>, %arg6: memref<2x125xi32, #tpu.memory_space<vmem>>, %arg7: memref<2x125xi32, #tpu.memory_space<vmem>>, %arg8: memref<2x125xi32, #tpu.memory_space<vmem>>, %arg9: memref<2x125xi32, #tpu.memory_space<vmem>>, %arg10: memref<125x128xf32, #tpu.memory_space<vmem>>, %arg11: memref<125x128xf32, #tpu.memory_space<vmem>>, %arg12: memref<10240x128xf32, #tpu.memory_space<vmem_shared>>, %arg13: memref<!tpu.dma_semaphore, #tpu.memory_space<semaphore_mem>>, %arg14: memref<!tpu.dma_semaphore, #tpu.memory_space<semaphore_mem>>, %arg15: memref<!tpu.dma_semaphore, #tpu.memory_space<semaphore_mem>>, %arg16: memref<!tpu.dma_semaphore, #tpu.memory_space<semaphore_mem>>) attributes {dimension_semantics = [#tpu.dimension_semantics<core_parallel>, #tpu.dimension_semantics<subcore_parallel>], iteration_bounds = array<i64: 2, 16>, scalar_prefetch = 0 : i64, scratch_operands = 11 : i64, tpu.core_type = #tpu.core_type<sc_vector_subcore>, window_params = [{transform_indices = #map}, {transform_indices = #map1}, {transform_indices = #map}, {transform_indices = #map}]} {
    %mul3A = arith.constant 640 : i32
    %mul3A_0 = arith.muli %arg1, %mul3A : i32
    %mul3A_1 = arith.constant 640 : i32
    %mul3A_2 = arith.muli %arg1, %mul3A_1 : i32
    "tpu.region"() ({
      %run_scoped3A_143 = tpu.sem_alloc : memref<!tpu.dma_semaphore, #tpu.memory_space<semaphore_mem>>
      %dma_start3A_144 = arith.constant 0 : i32
      %dma_start3A_145 = tpu.memref_slice %arg12[%mul3A_2, %dma_start3A_144] : memref<10240x128xf32, #tpu.memory_space<vmem_shared>> -> memref<640x128xf32, #tpu.memory_space<vmem_shared>>
      %dma_start3A_146 = arith.constant 0 : i32
      %dma_start3A_147 = tpu.memref_slice %arg4[%mul3A_0, %dma_start3A_146] : memref<10240x128xf32, #tpu.memory_space<hbm>> -> memref<640x128xf32, #tpu.memory_space<hbm>>
      tpu.enqueue_dma source(%dma_start3A_147 : memref<640x128xf32, #tpu.memory_space<hbm>>) target(%dma_start3A_145 : memref<640x128xf32, #tpu.memory_space<vmem_shared>>) target_semaphore(%run_scoped3A_143 : memref<!tpu.dma_semaphore, #tpu.memory_space<semaphore_mem>>)
      %dma_wait3A_148 = arith.constant 0 : i32
      %dma_wait3A_149 = tpu.memref_slice %arg12[%mul3A_2, %dma_wait3A_148] : memref<10240x128xf32, #tpu.memory_space<vmem_shared>> -> memref<640x128xf32, #tpu.memory_space<vmem_shared>>
      %dma_wait3A_150 = arith.constant 0 : i32
      %dma_wait3A_151 = tpu.memref_slice %arg4[%mul3A_0, %dma_wait3A_150] : memref<10240x128xf32, #tpu.memory_space<hbm>> -> memref<640x128xf32, #tpu.memory_space<hbm>>
      tpu.wait_dma2 semaphore(%run_scoped3A_143 : memref<!tpu.dma_semaphore, #tpu.memory_space<semaphore_mem>>) src(%dma_wait3A_151 : memref<640x128xf32, #tpu.memory_space<hbm>>) dst(%dma_wait3A_149 : memref<640x128xf32, #tpu.memory_space<vmem_shared>>)
      tpu.yield
    }) : () -> ()
    %barrier3A = arith.constant 0 : index
    tpu.barrier barrier_id(%barrier3A)
    %dma_start3A = arith.constant 0 : i32
    %dma_start3A_3 = arith.constant 0 : i32
    %dma_start3A_4 = arith.constant 0 : i32
    %dma_start3A_5 = tpu.memref_slice %arg3[%arg0, %arg1, %dma_start3A, %dma_start3A_3, %dma_start3A_4] : memref<2x16x160x2x125xi32, #tpu.memory_space<hbm>> -> memref<1x1x1x2x125xi32, #tpu.memory_space<hbm>>
    %dma_start3A_6 = tpu.memref_squeeze %dma_start3A_5 : memref<1x1x1x2x125xi32, #tpu.memory_space<hbm>> -> memref<2x125xi32, #tpu.memory_space<hbm>>
    %dma_start3A_7 = arith.constant 0 : i32
    %dma_start3A_8 = arith.constant 0 : i32
    %dma_start3A_9 = tpu.memref_slice %arg3[%arg0, %arg1, %dma_start3A, %dma_start3A_7, %dma_start3A_8] : memref<2x16x160x2x125xi32, #tpu.memory_space<hbm>> -> memref<1x1x1x2x125xi32, #tpu.memory_space<hbm>>
    %dma_start3A_10 = tpu.memref_squeeze %dma_start3A_9 : memref<1x1x1x2x125xi32, #tpu.memory_space<hbm>> -> memref<2x125xi32, #tpu.memory_space<hbm>>
    tpu.enqueue_dma source(%dma_start3A_10 : memref<2x125xi32, #tpu.memory_space<hbm>>) target(%arg6 : memref<2x125xi32, #tpu.memory_space<vmem>>) target_semaphore(%arg13 : memref<!tpu.dma_semaphore, #tpu.memory_space<semaphore_mem>>)
    %dma_start3A_11 = arith.constant 1 : i32
    %dma_start3A_12 = arith.constant 0 : i32
    %dma_start3A_13 = arith.constant 0 : i32
    %dma_start3A_14 = tpu.memref_slice %arg3[%arg0, %arg1, %dma_start3A_11, %dma_start3A_12, %dma_start3A_13] : memref<2x16x160x2x125xi32, #tpu.memory_space<hbm>> -> memref<1x1x1x2x125xi32, #tpu.memory_space<hbm>>
    %dma_start3A_15 = tpu.memref_squeeze %dma_start3A_14 : memref<1x1x1x2x125xi32, #tpu.memory_space<hbm>> -> memref<2x125xi32, #tpu.memory_space<hbm>>
    %dma_start3A_16 = arith.constant 0 : i32
    %dma_start3A_17 = arith.constant 0 : i32
    %dma_start3A_18 = tpu.memref_slice %arg3[%arg0, %arg1, %dma_start3A_11, %dma_start3A_16, %dma_start3A_17] : memref<2x16x160x2x125xi32, #tpu.memory_space<hbm>> -> memref<1x1x1x2x125xi32, #tpu.memory_space<hbm>>
    %dma_start3A_19 = tpu.memref_squeeze %dma_start3A_18 : memref<1x1x1x2x125xi32, #tpu.memory_space<hbm>> -> memref<2x125xi32, #tpu.memory_space<hbm>>
    tpu.enqueue_dma source(%dma_start3A_19 : memref<2x125xi32, #tpu.memory_space<hbm>>) target(%arg7 : memref<2x125xi32, #tpu.memory_space<vmem>>) target_semaphore(%arg14 : memref<!tpu.dma_semaphore, #tpu.memory_space<semaphore_mem>>)
    %dma_wait3A = arith.constant 0 : i32
    %dma_wait3A_20 = arith.constant 0 : i32
    %dma_wait3A_21 = arith.constant 0 : i32
    %dma_wait3A_22 = tpu.memref_slice %arg3[%arg0, %arg1, %dma_wait3A, %dma_wait3A_20, %dma_wait3A_21] : memref<2x16x160x2x125xi32, #tpu.memory_space<hbm>> -> memref<1x1x1x2x125xi32, #tpu.memory_space<hbm>>
    %dma_wait3A_23 = tpu.memref_squeeze %dma_wait3A_22 : memref<1x1x1x2x125xi32, #tpu.memory_space<hbm>> -> memref<2x125xi32, #tpu.memory_space<hbm>>
    %dma_wait3A_24 = arith.constant 0 : i32
    %dma_wait3A_25 = arith.constant 0 : i32
    %dma_wait3A_26 = tpu.memref_slice %arg3[%arg0, %arg1, %dma_wait3A, %dma_wait3A_24, %dma_wait3A_25] : memref<2x16x160x2x125xi32, #tpu.memory_space<hbm>> -> memref<1x1x1x2x125xi32, #tpu.memory_space<hbm>>
    %dma_wait3A_27 = tpu.memref_squeeze %dma_wait3A_26 : memref<1x1x1x2x125xi32, #tpu.memory_space<hbm>> -> memref<2x125xi32, #tpu.memory_space<hbm>>
    tpu.wait_dma2 semaphore(%arg13 : memref<!tpu.dma_semaphore, #tpu.memory_space<semaphore_mem>>) src(%dma_wait3A_27 : memref<2x125xi32, #tpu.memory_space<hbm>>) dst(%arg6 : memref<2x125xi32, #tpu.memory_space<vmem>>)
    %dma_start3A_28 = arith.constant 0 : i32
    %dma_start3A_29 = arith.constant 0 : i32
    %dma_start3A_30 = tpu.memref_slice %arg6[%dma_start3A_28, %dma_start3A_29] : memref<2x125xi32, #tpu.memory_space<vmem>> -> memref<1x125xi32, #tpu.memory_space<vmem>>
    %dma_start3A_31 = tpu.memref_squeeze %dma_start3A_30 : memref<1x125xi32, #tpu.memory_space<vmem>> -> memref<125xi32, #tpu.memory_space<vmem>>
    %dma_start3A_32 = arith.constant 0 : i32
    %dma_start3A_33 = arith.constant 0 : i32
    %dma_start3A_34 = tpu.memref_slice %arg2[%dma_start3A_32, %dma_start3A_33] : memref<10000x128xf32, #tpu.memory_space<hbm>> -> memref<10000x128xf32, #tpu.memory_space<hbm>>
    tpu.enqueue_indirect_dma source(%dma_start3A_34 : memref<10000x128xf32, #tpu.memory_space<hbm>>) target(%arg10 : memref<125x128xf32, #tpu.memory_space<vmem>>) offsets(%dma_start3A_31 : memref<125xi32, #tpu.memory_space<vmem>>) semaphore(%arg15 : memref<!tpu.dma_semaphore, #tpu.memory_space<semaphore_mem>>)
    %dma_start3A_35 = arith.constant 2 : i32
    %dma_start3A_36 = arith.constant 0 : i32
    %dma_start3A_37 = arith.constant 0 : i32
    %dma_start3A_38 = tpu.memref_slice %arg3[%arg0, %arg1, %dma_start3A_35, %dma_start3A_36, %dma_start3A_37] : memref<2x16x160x2x125xi32, #tpu.memory_space<hbm>> -> memref<1x1x1x2x125xi32, #tpu.memory_space<hbm>>
    %dma_start3A_39 = tpu.memref_squeeze %dma_start3A_38 : memref<1x1x1x2x125xi32, #tpu.memory_space<hbm>> -> memref<2x125xi32, #tpu.memory_space<hbm>>
    %dma_start3A_40 = arith.constant 0 : i32
    %dma_start3A_41 = arith.constant 0 : i32
    %dma_start3A_42 = tpu.memref_slice %arg3[%arg0, %arg1, %dma_start3A_35, %dma_start3A_40, %dma_start3A_41] : memref<2x16x160x2x125xi32, #tpu.memory_space<hbm>> -> memref<1x1x1x2x125xi32, #tpu.memory_space<hbm>>
    %dma_start3A_43 = tpu.memref_squeeze %dma_start3A_42 : memref<1x1x1x2x125xi32, #tpu.memory_space<hbm>> -> memref<2x125xi32, #tpu.memory_space<hbm>>
    tpu.enqueue_dma source(%dma_start3A_43 : memref<2x125xi32, #tpu.memory_space<hbm>>) target(%arg8 : memref<2x125xi32, #tpu.memory_space<vmem>>) target_semaphore(%arg13 : memref<!tpu.dma_semaphore, #tpu.memory_space<semaphore_mem>>)
    %scan3A = arith.constant 0 : i32
    %scan3A_44 = arith.constant 39 : i32
    %scan3A_45 = arith.addi %scan3A, %scan3A_44 : i32
    %scan3A_46 = arith.constant 1 : i32
    scf.for %scan3A_143 = %scan3A to %scan3A_45 step %scan3A_46  : i32 {
      %mul3A_144 = arith.constant 1 : i32
      %mul3A_145 = arith.muli %scan3A_143, %mul3A_144 : i32
      %add3A_146 = arith.constant 0 : i32
      %add3A_147 = arith.addi %add3A_146, %mul3A_145 : i32
      %mul3A_148 = arith.constant 4 : i32
      %mul3A_149 = arith.muli %mul3A_148, %add3A_147 : i32
      %add3A_150 = arith.constant 0 : i32
      %add3A_151 = arith.addi %mul3A_149, %add3A_150 : i32
      %dma_wait3A_152 = arith.constant 0 : i32
      %dma_wait3A_153 = arith.constant 0 : i32
      %dma_wait3A_154 = arith.constant 0 : i32
      %dma_wait3A_155 = tpu.memref_slice %arg3[%arg0, %arg1, %dma_wait3A_152, %dma_wait3A_153, %dma_wait3A_154] : memref<2x16x160x2x125xi32, #tpu.memory_space<hbm>> -> memref<1x1x1x2x125xi32, #tpu.memory_space<hbm>>
      %dma_wait3A_156 = tpu.memref_squeeze %dma_wait3A_155 : memref<1x1x1x2x125xi32, #tpu.memory_space<hbm>> -> memref<2x125xi32, #tpu.memory_space<hbm>>
      %dma_wait3A_157 = arith.constant 0 : i32
      %dma_wait3A_158 = arith.constant 0 : i32
      %dma_wait3A_159 = tpu.memref_slice %arg3[%arg0, %arg1, %dma_wait3A_152, %dma_wait3A_157, %dma_wait3A_158] : memref<2x16x160x2x125xi32, #tpu.memory_space<hbm>> -> memref<1x1x1x2x125xi32, #tpu.memory_space<hbm>>
      %dma_wait3A_160 = tpu.memref_squeeze %dma_wait3A_159 : memref<1x1x1x2x125xi32, #tpu.memory_space<hbm>> -> memref<2x125xi32, #tpu.memory_space<hbm>>
      tpu.wait_dma2 semaphore(%arg14 : memref<!tpu.dma_semaphore, #tpu.memory_space<semaphore_mem>>) src(%dma_wait3A_160 : memref<2x125xi32, #tpu.memory_space<hbm>>) dst(%arg6 : memref<2x125xi32, #tpu.memory_space<vmem>>)
      %dma_start3A_161 = arith.constant 0 : i32
      %dma_start3A_162 = arith.constant 0 : i32
      %dma_start3A_163 = tpu.memref_slice %arg7[%dma_start3A_161, %dma_start3A_162] : memref<2x125xi32, #tpu.memory_space<vmem>> -> memref<1x125xi32, #tpu.memory_space<vmem>>
      %dma_start3A_164 = tpu.memref_squeeze %dma_start3A_163 : memref<1x125xi32, #tpu.memory_space<vmem>> -> memref<125xi32, #tpu.memory_space<vmem>>
      %dma_start3A_165 = arith.constant 0 : i32
      %dma_start3A_166 = arith.constant 0 : i32
      %dma_start3A_167 = tpu.memref_slice %arg2[%dma_start3A_165, %dma_start3A_166] : memref<10000x128xf32, #tpu.memory_space<hbm>> -> memref<10000x128xf32, #tpu.memory_space<hbm>>
      tpu.enqueue_indirect_dma source(%dma_start3A_167 : memref<10000x128xf32, #tpu.memory_space<hbm>>) target(%arg11 : memref<125x128xf32, #tpu.memory_space<vmem>>) offsets(%dma_start3A_164 : memref<125xi32, #tpu.memory_space<vmem>>) semaphore(%arg16 : memref<!tpu.dma_semaphore, #tpu.memory_space<semaphore_mem>>)
      %add3A_168 = arith.constant 3 : i32
      %add3A_169 = arith.addi %add3A_151, %add3A_168 : i32
      %dma_start3A_170 = arith.constant 0 : i32
      %dma_start3A_171 = arith.constant 0 : i32
      %dma_start3A_172 = tpu.memref_slice %arg3[%arg0, %arg1, %add3A_169, %dma_start3A_170, %dma_start3A_171] : memref<2x16x160x2x125xi32, #tpu.memory_space<hbm>> -> memref<1x1x1x2x125xi32, #tpu.memory_space<hbm>>
      %dma_start3A_173 = tpu.memref_squeeze %dma_start3A_172 : memref<1x1x1x2x125xi32, #tpu.memory_space<hbm>> -> memref<2x125xi32, #tpu.memory_space<hbm>>
      %dma_start3A_174 = arith.constant 0 : i32
      %dma_start3A_175 = arith.constant 0 : i32
      %dma_start3A_176 = tpu.memref_slice %arg3[%arg0, %arg1, %add3A_169, %dma_start3A_174, %dma_start3A_175] : memref<2x16x160x2x125xi32, #tpu.memory_space<hbm>> -> memref<1x1x1x2x125xi32, #tpu.memory_space<hbm>>
      %dma_start3A_177 = tpu.memref_squeeze %dma_start3A_176 : memref<1x1x1x2x125xi32, #tpu.memory_space<hbm>> -> memref<2x125xi32, #tpu.memory_space<hbm>>
      tpu.enqueue_dma source(%dma_start3A_177 : memref<2x125xi32, #tpu.memory_space<hbm>>) target(%arg9 : memref<2x125xi32, #tpu.memory_space<vmem>>) target_semaphore(%arg14 : memref<!tpu.dma_semaphore, #tpu.memory_space<semaphore_mem>>)
      %dma_wait3A_178 = arith.constant 0 : i32
      %dma_wait3A_179 = arith.constant 0 : i32
      %dma_wait3A_180 = tpu.memref_slice %arg6[%dma_wait3A_178, %dma_wait3A_179] : memref<2x125xi32, #tpu.memory_space<vmem>> -> memref<1x125xi32, #tpu.memory_space<vmem>>
      %dma_wait3A_181 = tpu.memref_squeeze %dma_wait3A_180 : memref<1x125xi32, #tpu.memory_space<vmem>> -> memref<125xi32, #tpu.memory_space<vmem>>
      %dma_wait3A_182 = arith.constant 0 : i32
      %dma_wait3A_183 = arith.constant 0 : i32
      %dma_wait3A_184 = tpu.memref_slice %arg2[%dma_wait3A_182, %dma_wait3A_183] : memref<10000x128xf32, #tpu.memory_space<hbm>> -> memref<10000x128xf32, #tpu.memory_space<hbm>>
      tpu.wait_indirect_dma semaphore(%arg15 : memref<!tpu.dma_semaphore, #tpu.memory_space<semaphore_mem>>) src(%dma_wait3A_184 : memref<10000x128xf32, #tpu.memory_space<hbm>>) dst(%arg10 : memref<125x128xf32, #tpu.memory_space<vmem>>)
      %run_scoped3A_185 = arith.constant 1 : i32
      "tpu.region"() ({
        %run_scoped3A_300 = tpu.sem_alloc : memref<!tpu.dma_semaphore, #tpu.memory_space<semaphore_mem>>
        %dma_start3A_301 = arith.constant 0 : i32
        %dma_start3A_302 = tpu.memref_slice %arg6[%run_scoped3A_185, %dma_start3A_301] : memref<2x125xi32, #tpu.memory_space<vmem>> -> memref<1x125xi32, #tpu.memory_space<vmem>>
        %dma_start3A_303 = tpu.memref_squeeze %dma_start3A_302 : memref<1x125xi32, #tpu.memory_space<vmem>> -> memref<125xi32, #tpu.memory_space<vmem>>
        %dma_start3A_304 = arith.constant 0 : i32
        %dma_start3A_305 = arith.constant 0 : i32
        %dma_start3A_306 = tpu.memref_slice %arg12[%dma_start3A_304, %dma_start3A_305] : memref<10240x128xf32, #tpu.memory_space<vmem_shared>> -> memref<10240x128xf32, #tpu.memory_space<vmem_shared>>
        tpu.enqueue_indirect_dma source(%arg10 : memref<125x128xf32, #tpu.memory_space<vmem>>) target(%dma_start3A_306 : memref<10240x128xf32, #tpu.memory_space<vmem_shared>>) offsets(%dma_start3A_303 : memref<125xi32, #tpu.memory_space<vmem>>) semaphore(%run_scoped3A_300 : memref<!tpu.dma_semaphore, #tpu.memory_space<semaphore_mem>>) {add = true}
        %dma_wait3A_307 = arith.constant 0 : i32
        %dma_wait3A_308 = tpu.memref_slice %arg6[%run_scoped3A_185, %dma_wait3A_307] : memref<2x125xi32, #tpu.memory_space<vmem>> -> memref<1x125xi32, #tpu.memory_space<vmem>>
        %dma_wait3A_309 = tpu.memref_squeeze %dma_wait3A_308 : memref<1x125xi32, #tpu.memory_space<vmem>> -> memref<125xi32, #tpu.memory_space<vmem>>
        %dma_wait3A_310 = arith.constant 0 : i32
        %dma_wait3A_311 = arith.constant 0 : i32
        %dma_wait3A_312 = tpu.memref_slice %arg12[%dma_wait3A_310, %dma_wait3A_311] : memref<10240x128xf32, #tpu.memory_space<vmem_shared>> -> memref<10240x128xf32, #tpu.memory_space<vmem_shared>>
        tpu.wait_indirect_dma semaphore(%run_scoped3A_300 : memref<!tpu.dma_semaphore, #tpu.memory_space<semaphore_mem>>) src(%arg10 : memref<125x128xf32, #tpu.memory_space<vmem>>) dst(%dma_wait3A_312 : memref<10240x128xf32, #tpu.memory_space<vmem_shared>>)
        tpu.yield
      }) : () -> ()
      %mul3A_186 = arith.constant 4 : i32
      %mul3A_187 = arith.muli %mul3A_186, %add3A_147 : i32
      %add3A_188 = arith.constant 1 : i32
      %add3A_189 = arith.addi %mul3A_187, %add3A_188 : i32
      %dma_wait3A_190 = arith.constant 0 : i32
      %dma_wait3A_191 = arith.constant 0 : i32
      %dma_wait3A_192 = arith.constant 0 : i32
      %dma_wait3A_193 = tpu.memref_slice %arg3[%arg0, %arg1, %dma_wait3A_190, %dma_wait3A_191, %dma_wait3A_192] : memref<2x16x160x2x125xi32, #tpu.memory_space<hbm>> -> memref<1x1x1x2x125xi32, #tpu.memory_space<hbm>>
      %dma_wait3A_194 = tpu.memref_squeeze %dma_wait3A_193 : memref<1x1x1x2x125xi32, #tpu.memory_space<hbm>> -> memref<2x125xi32, #tpu.memory_space<hbm>>
      %dma_wait3A_195 = arith.constant 0 : i32
      %dma_wait3A_196 = arith.constant 0 : i32
      %dma_wait3A_197 = tpu.memref_slice %arg3[%arg0, %arg1, %dma_wait3A_190, %dma_wait3A_195, %dma_wait3A_196] : memref<2x16x160x2x125xi32, #tpu.memory_space<hbm>> -> memref<1x1x1x2x125xi32, #tpu.memory_space<hbm>>
      %dma_wait3A_198 = tpu.memref_squeeze %dma_wait3A_197 : memref<1x1x1x2x125xi32, #tpu.memory_space<hbm>> -> memref<2x125xi32, #tpu.memory_space<hbm>>
      tpu.wait_dma2 semaphore(%arg13 : memref<!tpu.dma_semaphore, #tpu.memory_space<semaphore_mem>>) src(%dma_wait3A_198 : memref<2x125xi32, #tpu.memory_space<hbm>>) dst(%arg6 : memref<2x125xi32, #tpu.memory_space<vmem>>)
      %dma_start3A_199 = arith.constant 0 : i32
      %dma_start3A_200 = arith.constant 0 : i32
      %dma_start3A_201 = tpu.memref_slice %arg8[%dma_start3A_199, %dma_start3A_200] : memref<2x125xi32, #tpu.memory_space<vmem>> -> memref<1x125xi32, #tpu.memory_space<vmem>>
      %dma_start3A_202 = tpu.memref_squeeze %dma_start3A_201 : memref<1x125xi32, #tpu.memory_space<vmem>> -> memref<125xi32, #tpu.memory_space<vmem>>
      %dma_start3A_203 = arith.constant 0 : i32
      %dma_start3A_204 = arith.constant 0 : i32
      %dma_start3A_205 = tpu.memref_slice %arg2[%dma_start3A_203, %dma_start3A_204] : memref<10000x128xf32, #tpu.memory_space<hbm>> -> memref<10000x128xf32, #tpu.memory_space<hbm>>
      tpu.enqueue_indirect_dma source(%dma_start3A_205 : memref<10000x128xf32, #tpu.memory_space<hbm>>) target(%arg10 : memref<125x128xf32, #tpu.memory_space<vmem>>) offsets(%dma_start3A_202 : memref<125xi32, #tpu.memory_space<vmem>>) semaphore(%arg15 : memref<!tpu.dma_semaphore, #tpu.memory_space<semaphore_mem>>)
      %add3A_206 = arith.constant 3 : i32
      %add3A_207 = arith.addi %add3A_189, %add3A_206 : i32
      %dma_start3A_208 = arith.constant 0 : i32
      %dma_start3A_209 = arith.constant 0 : i32
      %dma_start3A_210 = tpu.memref_slice %arg3[%arg0, %arg1, %add3A_207, %dma_start3A_208, %dma_start3A_209] : memref<2x16x160x2x125xi32, #tpu.memory_space<hbm>> -> memref<1x1x1x2x125xi32, #tpu.memory_space<hbm>>
      %dma_start3A_211 = tpu.memref_squeeze %dma_start3A_210 : memref<1x1x1x2x125xi32, #tpu.memory_space<hbm>> -> memref<2x125xi32, #tpu.memory_space<hbm>>
      %dma_start3A_212 = arith.constant 0 : i32
      %dma_start3A_213 = arith.constant 0 : i32
      %dma_start3A_214 = tpu.memref_slice %arg3[%arg0, %arg1, %add3A_207, %dma_start3A_212, %dma_start3A_213] : memref<2x16x160x2x125xi32, #tpu.memory_space<hbm>> -> memref<1x1x1x2x125xi32, #tpu.memory_space<hbm>>
      %dma_start3A_215 = tpu.memref_squeeze %dma_start3A_214 : memref<1x1x1x2x125xi32, #tpu.memory_space<hbm>> -> memref<2x125xi32, #tpu.memory_space<hbm>>
      tpu.enqueue_dma source(%dma_start3A_215 : memref<2x125xi32, #tpu.memory_space<hbm>>) target(%arg6 : memref<2x125xi32, #tpu.memory_space<vmem>>) target_semaphore(%arg13 : memref<!tpu.dma_semaphore, #tpu.memory_space<semaphore_mem>>)
      %dma_wait3A_216 = arith.constant 0 : i32
      %dma_wait3A_217 = arith.constant 0 : i32
      %dma_wait3A_218 = tpu.memref_slice %arg6[%dma_wait3A_216, %dma_wait3A_217] : memref<2x125xi32, #tpu.memory_space<vmem>> -> memref<1x125xi32, #tpu.memory_space<vmem>>
      %dma_wait3A_219 = tpu.memref_squeeze %dma_wait3A_218 : memref<1x125xi32, #tpu.memory_space<vmem>> -> memref<125xi32, #tpu.memory_space<vmem>>
      %dma_wait3A_220 = arith.constant 0 : i32
      %dma_wait3A_221 = arith.constant 0 : i32
      %dma_wait3A_222 = tpu.memref_slice %arg2[%dma_wait3A_220, %dma_wait3A_221] : memref<10000x128xf32, #tpu.memory_space<hbm>> -> memref<10000x128xf32, #tpu.memory_space<hbm>>
      tpu.wait_indirect_dma semaphore(%arg16 : memref<!tpu.dma_semaphore, #tpu.memory_space<semaphore_mem>>) src(%dma_wait3A_222 : memref<10000x128xf32, #tpu.memory_space<hbm>>) dst(%arg11 : memref<125x128xf32, #tpu.memory_space<vmem>>)
      %run_scoped3A_223 = arith.constant 1 : i32
      "tpu.region"() ({
        %run_scoped3A_300 = tpu.sem_alloc : memref<!tpu.dma_semaphore, #tpu.memory_space<semaphore_mem>>
        %dma_start3A_301 = arith.constant 0 : i32
        %dma_start3A_302 = tpu.memref_slice %arg7[%run_scoped3A_223, %dma_start3A_301] : memref<2x125xi32, #tpu.memory_space<vmem>> -> memref<1x125xi32, #tpu.memory_space<vmem>>
        %dma_start3A_303 = tpu.memref_squeeze %dma_start3A_302 : memref<1x125xi32, #tpu.memory_space<vmem>> -> memref<125xi32, #tpu.memory_space<vmem>>
        %dma_start3A_304 = arith.constant 0 : i32
        %dma_start3A_305 = arith.constant 0 : i32
        %dma_start3A_306 = tpu.memref_slice %arg12[%dma_start3A_304, %dma_start3A_305] : memref<10240x128xf32, #tpu.memory_space<vmem_shared>> -> memref<10240x128xf32, #tpu.memory_space<vmem_shared>>
        tpu.enqueue_indirect_dma source(%arg11 : memref<125x128xf32, #tpu.memory_space<vmem>>) target(%dma_start3A_306 : memref<10240x128xf32, #tpu.memory_space<vmem_shared>>) offsets(%dma_start3A_303 : memref<125xi32, #tpu.memory_space<vmem>>) semaphore(%run_scoped3A_300 : memref<!tpu.dma_semaphore, #tpu.memory_space<semaphore_mem>>) {add = true}
        %dma_wait3A_307 = arith.constant 0 : i32
        %dma_wait3A_308 = tpu.memref_slice %arg7[%run_scoped3A_223, %dma_wait3A_307] : memref<2x125xi32, #tpu.memory_space<vmem>> -> memref<1x125xi32, #tpu.memory_space<vmem>>
        %dma_wait3A_309 = tpu.memref_squeeze %dma_wait3A_308 : memref<1x125xi32, #tpu.memory_space<vmem>> -> memref<125xi32, #tpu.memory_space<vmem>>
        %dma_wait3A_310 = arith.constant 0 : i32
        %dma_wait3A_311 = arith.constant 0 : i32
        %dma_wait3A_312 = tpu.memref_slice %arg12[%dma_wait3A_310, %dma_wait3A_311] : memref<10240x128xf32, #tpu.memory_space<vmem_shared>> -> memref<10240x128xf32, #tpu.memory_space<vmem_shared>>
        tpu.wait_indirect_dma semaphore(%run_scoped3A_300 : memref<!tpu.dma_semaphore, #tpu.memory_space<semaphore_mem>>) src(%arg11 : memref<125x128xf32, #tpu.memory_space<vmem>>) dst(%dma_wait3A_312 : memref<10240x128xf32, #tpu.memory_space<vmem_shared>>)
        tpu.yield
      }) : () -> ()
      %mul3A_224 = arith.constant 4 : i32
      %mul3A_225 = arith.muli %mul3A_224, %add3A_147 : i32
      %add3A_226 = arith.constant 2 : i32
      %add3A_227 = arith.addi %mul3A_225, %add3A_226 : i32
      %dma_wait3A_228 = arith.constant 0 : i32
      %dma_wait3A_229 = arith.constant 0 : i32
      %dma_wait3A_230 = arith.constant 0 : i32
      %dma_wait3A_231 = tpu.memref_slice %arg3[%arg0, %arg1, %dma_wait3A_228, %dma_wait3A_229, %dma_wait3A_230] : memref<2x16x160x2x125xi32, #tpu.memory_space<hbm>> -> memref<1x1x1x2x125xi32, #tpu.memory_space<hbm>>
      %dma_wait3A_232 = tpu.memref_squeeze %dma_wait3A_231 : memref<1x1x1x2x125xi32, #tpu.memory_space<hbm>> -> memref<2x125xi32, #tpu.memory_space<hbm>>
      %dma_wait3A_233 = arith.constant 0 : i32
      %dma_wait3A_234 = arith.constant 0 : i32
      %dma_wait3A_235 = tpu.memref_slice %arg3[%arg0, %arg1, %dma_wait3A_228, %dma_wait3A_233, %dma_wait3A_234] : memref<2x16x160x2x125xi32, #tpu.memory_space<hbm>> -> memref<1x1x1x2x125xi32, #tpu.memory_space<hbm>>
      %dma_wait3A_236 = tpu.memref_squeeze %dma_wait3A_235 : memref<1x1x1x2x125xi32, #tpu.memory_space<hbm>> -> memref<2x125xi32, #tpu.memory_space<hbm>>
      tpu.wait_dma2 semaphore(%arg14 : memref<!tpu.dma_semaphore, #tpu.memory_space<semaphore_mem>>) src(%dma_wait3A_236 : memref<2x125xi32, #tpu.memory_space<hbm>>) dst(%arg6 : memref<2x125xi32, #tpu.memory_space<vmem>>)
      %dma_start3A_237 = arith.constant 0 : i32
      %dma_start3A_238 = arith.constant 0 : i32
      %dma_start3A_239 = tpu.memref_slice %arg9[%dma_start3A_237, %dma_start3A_238] : memref<2x125xi32, #tpu.memory_space<vmem>> -> memref<1x125xi32, #tpu.memory_space<vmem>>
      %dma_start3A_240 = tpu.memref_squeeze %dma_start3A_239 : memref<1x125xi32, #tpu.memory_space<vmem>> -> memref<125xi32, #tpu.memory_space<vmem>>
      %dma_start3A_241 = arith.constant 0 : i32
      %dma_start3A_242 = arith.constant 0 : i32
      %dma_start3A_243 = tpu.memref_slice %arg2[%dma_start3A_241, %dma_start3A_242] : memref<10000x128xf32, #tpu.memory_space<hbm>> -> memref<10000x128xf32, #tpu.memory_space<hbm>>
      tpu.enqueue_indirect_dma source(%dma_start3A_243 : memref<10000x128xf32, #tpu.memory_space<hbm>>) target(%arg11 : memref<125x128xf32, #tpu.memory_space<vmem>>) offsets(%dma_start3A_240 : memref<125xi32, #tpu.memory_space<vmem>>) semaphore(%arg16 : memref<!tpu.dma_semaphore, #tpu.memory_space<semaphore_mem>>)
      %add3A_244 = arith.constant 3 : i32
      %add3A_245 = arith.addi %add3A_227, %add3A_244 : i32
      %dma_start3A_246 = arith.constant 0 : i32
      %dma_start3A_247 = arith.constant 0 : i32
      %dma_start3A_248 = tpu.memref_slice %arg3[%arg0, %arg1, %add3A_245, %dma_start3A_246, %dma_start3A_247] : memref<2x16x160x2x125xi32, #tpu.memory_space<hbm>> -> memref<1x1x1x2x125xi32, #tpu.memory_space<hbm>>
      %dma_start3A_249 = tpu.memref_squeeze %dma_start3A_248 : memref<1x1x1x2x125xi32, #tpu.memory_space<hbm>> -> memref<2x125xi32, #tpu.memory_space<hbm>>
      %dma_start3A_250 = arith.constant 0 : i32
      %dma_start3A_251 = arith.constant 0 : i32
      %dma_start3A_252 = tpu.memref_slice %arg3[%arg0, %arg1, %add3A_245, %dma_start3A_250, %dma_start3A_251] : memref<2x16x160x2x125xi32, #tpu.memory_space<hbm>> -> memref<1x1x1x2x125xi32, #tpu.memory_space<hbm>>
      %dma_start3A_253 = tpu.memref_squeeze %dma_start3A_252 : memref<1x1x1x2x125xi32, #tpu.memory_space<hbm>> -> memref<2x125xi32, #tpu.memory_space<hbm>>
      tpu.enqueue_dma source(%dma_start3A_253 : memref<2x125xi32, #tpu.memory_space<hbm>>) target(%arg7 : memref<2x125xi32, #tpu.memory_space<vmem>>) target_semaphore(%arg14 : memref<!tpu.dma_semaphore, #tpu.memory_space<semaphore_mem>>)
      %dma_wait3A_254 = arith.constant 0 : i32
      %dma_wait3A_255 = arith.constant 0 : i32
      %dma_wait3A_256 = tpu.memref_slice %arg6[%dma_wait3A_254, %dma_wait3A_255] : memref<2x125xi32, #tpu.memory_space<vmem>> -> memref<1x125xi32, #tpu.memory_space<vmem>>
      %dma_wait3A_257 = tpu.memref_squeeze %dma_wait3A_256 : memref<1x125xi32, #tpu.memory_space<vmem>> -> memref<125xi32, #tpu.memory_space<vmem>>
      %dma_wait3A_258 = arith.constant 0 : i32
      %dma_wait3A_259 = arith.constant 0 : i32
      %dma_wait3A_260 = tpu.memref_slice %arg2[%dma_wait3A_258, %dma_wait3A_259] : memref<10000x128xf32, #tpu.memory_space<hbm>> -> memref<10000x128xf32, #tpu.memory_space<hbm>>
      tpu.wait_indirect_dma semaphore(%arg15 : memref<!tpu.dma_semaphore, #tpu.memory_space<semaphore_mem>>) src(%dma_wait3A_260 : memref<10000x128xf32, #tpu.memory_space<hbm>>) dst(%arg10 : memref<125x128xf32, #tpu.memory_space<vmem>>)
      %run_scoped3A_261 = arith.constant 1 : i32
      "tpu.region"() ({
        %run_scoped3A_300 = tpu.sem_alloc : memref<!tpu.dma_semaphore, #tpu.memory_space<semaphore_mem>>
        %dma_start3A_301 = arith.constant 0 : i32
        %dma_start3A_302 = tpu.memref_slice %arg8[%run_scoped3A_261, %dma_start3A_301] : memref<2x125xi32, #tpu.memory_space<vmem>> -> memref<1x125xi32, #tpu.memory_space<vmem>>
        %dma_start3A_303 = tpu.memref_squeeze %dma_start3A_302 : memref<1x125xi32, #tpu.memory_space<vmem>> -> memref<125xi32, #tpu.memory_space<vmem>>
        %dma_start3A_304 = arith.constant 0 : i32
        %dma_start3A_305 = arith.constant 0 : i32
        %dma_start3A_306 = tpu.memref_slice %arg12[%dma_start3A_304, %dma_start3A_305] : memref<10240x128xf32, #tpu.memory_space<vmem_shared>> -> memref<10240x128xf32, #tpu.memory_space<vmem_shared>>
        tpu.enqueue_indirect_dma source(%arg10 : memref<125x128xf32, #tpu.memory_space<vmem>>) target(%dma_start3A_306 : memref<10240x128xf32, #tpu.memory_space<vmem_shared>>) offsets(%dma_start3A_303 : memref<125xi32, #tpu.memory_space<vmem>>) semaphore(%run_scoped3A_300 : memref<!tpu.dma_semaphore, #tpu.memory_space<semaphore_mem>>) {add = true}
        %dma_wait3A_307 = arith.constant 0 : i32
        %dma_wait3A_308 = tpu.memref_slice %arg8[%run_scoped3A_261, %dma_wait3A_307] : memref<2x125xi32, #tpu.memory_space<vmem>> -> memref<1x125xi32, #tpu.memory_space<vmem>>
        %dma_wait3A_309 = tpu.memref_squeeze %dma_wait3A_308 : memref<1x125xi32, #tpu.memory_space<vmem>> -> memref<125xi32, #tpu.memory_space<vmem>>
        %dma_wait3A_310 = arith.constant 0 : i32
        %dma_wait3A_311 = arith.constant 0 : i32
        %dma_wait3A_312 = tpu.memref_slice %arg12[%dma_wait3A_310, %dma_wait3A_311] : memref<10240x128xf32, #tpu.memory_space<vmem_shared>> -> memref<10240x128xf32, #tpu.memory_space<vmem_shared>>
        tpu.wait_indirect_dma semaphore(%run_scoped3A_300 : memref<!tpu.dma_semaphore, #tpu.memory_space<semaphore_mem>>) src(%arg10 : memref<125x128xf32, #tpu.memory_space<vmem>>) dst(%dma_wait3A_312 : memref<10240x128xf32, #tpu.memory_space<vmem_shared>>)
        tpu.yield
      }) : () -> ()
      %mul3A_262 = arith.constant 4 : i32
      %mul3A_263 = arith.muli %mul3A_262, %add3A_147 : i32
      %add3A_264 = arith.constant 3 : i32
      %add3A_265 = arith.addi %mul3A_263, %add3A_264 : i32
      %dma_wait3A_266 = arith.constant 0 : i32
      %dma_wait3A_267 = arith.constant 0 : i32
      %dma_wait3A_268 = arith.constant 0 : i32
      %dma_wait3A_269 = tpu.memref_slice %arg3[%arg0, %arg1, %dma_wait3A_266, %dma_wait3A_267, %dma_wait3A_268] : memref<2x16x160x2x125xi32, #tpu.memory_space<hbm>> -> memref<1x1x1x2x125xi32, #tpu.memory_space<hbm>>
      %dma_wait3A_270 = tpu.memref_squeeze %dma_wait3A_269 : memref<1x1x1x2x125xi32, #tpu.memory_space<hbm>> -> memref<2x125xi32, #tpu.memory_space<hbm>>
      %dma_wait3A_271 = arith.constant 0 : i32
      %dma_wait3A_272 = arith.constant 0 : i32
      %dma_wait3A_273 = tpu.memref_slice %arg3[%arg0, %arg1, %dma_wait3A_266, %dma_wait3A_271, %dma_wait3A_272] : memref<2x16x160x2x125xi32, #tpu.memory_space<hbm>> -> memref<1x1x1x2x125xi32, #tpu.memory_space<hbm>>
      %dma_wait3A_274 = tpu.memref_squeeze %dma_wait3A_273 : memref<1x1x1x2x125xi32, #tpu.memory_space<hbm>> -> memref<2x125xi32, #tpu.memory_space<hbm>>
      tpu.wait_dma2 semaphore(%arg13 : memref<!tpu.dma_semaphore, #tpu.memory_space<semaphore_mem>>) src(%dma_wait3A_274 : memref<2x125xi32, #tpu.memory_space<hbm>>) dst(%arg6 : memref<2x125xi32, #tpu.memory_space<vmem>>)
      %dma_start3A_275 = arith.constant 0 : i32
      %dma_start3A_276 = arith.constant 0 : i32
      %dma_start3A_277 = tpu.memref_slice %arg6[%dma_start3A_275, %dma_start3A_276] : memref<2x125xi32, #tpu.memory_space<vmem>> -> memref<1x125xi32, #tpu.memory_space<vmem>>
      %dma_start3A_278 = tpu.memref_squeeze %dma_start3A_277 : memref<1x125xi32, #tpu.memory_space<vmem>> -> memref<125xi32, #tpu.memory_space<vmem>>
      %dma_start3A_279 = arith.constant 0 : i32
      %dma_start3A_280 = arith.constant 0 : i32
      %dma_start3A_281 = tpu.memref_slice %arg2[%dma_start3A_279, %dma_start3A_280] : memref<10000x128xf32, #tpu.memory_space<hbm>> -> memref<10000x128xf32, #tpu.memory_space<hbm>>
      tpu.enqueue_indirect_dma source(%dma_start3A_281 : memref<10000x128xf32, #tpu.memory_space<hbm>>) target(%arg10 : memref<125x128xf32, #tpu.memory_space<vmem>>) offsets(%dma_start3A_278 : memref<125xi32, #tpu.memory_space<vmem>>) semaphore(%arg15 : memref<!tpu.dma_semaphore, #tpu.memory_space<semaphore_mem>>)
      %add3A_282 = arith.constant 3 : i32
      %add3A_283 = arith.addi %add3A_265, %add3A_282 : i32
      %dma_start3A_284 = arith.constant 0 : i32
      %dma_start3A_285 = arith.constant 0 : i32
      %dma_start3A_286 = tpu.memref_slice %arg3[%arg0, %arg1, %add3A_283, %dma_start3A_284, %dma_start3A_285] : memref<2x16x160x2x125xi32, #tpu.memory_space<hbm>> -> memref<1x1x1x2x125xi32, #tpu.memory_space<hbm>>
      %dma_start3A_287 = tpu.memref_squeeze %dma_start3A_286 : memref<1x1x1x2x125xi32, #tpu.memory_space<hbm>> -> memref<2x125xi32, #tpu.memory_space<hbm>>
      %dma_start3A_288 = arith.constant 0 : i32
      %dma_start3A_289 = arith.constant 0 : i32
      %dma_start3A_290 = tpu.memref_slice %arg3[%arg0, %arg1, %add3A_283, %dma_start3A_288, %dma_start3A_289] : memref<2x16x160x2x125xi32, #tpu.memory_space<hbm>> -> memref<1x1x1x2x125xi32, #tpu.memory_space<hbm>>
      %dma_start3A_291 = tpu.memref_squeeze %dma_start3A_290 : memref<1x1x1x2x125xi32, #tpu.memory_space<hbm>> -> memref<2x125xi32, #tpu.memory_space<hbm>>
      tpu.enqueue_dma source(%dma_start3A_291 : memref<2x125xi32, #tpu.memory_space<hbm>>) target(%arg8 : memref<2x125xi32, #tpu.memory_space<vmem>>) target_semaphore(%arg13 : memref<!tpu.dma_semaphore, #tpu.memory_space<semaphore_mem>>)
      %dma_wait3A_292 = arith.constant 0 : i32
      %dma_wait3A_293 = arith.constant 0 : i32
      %dma_wait3A_294 = tpu.memref_slice %arg6[%dma_wait3A_292, %dma_wait3A_293] : memref<2x125xi32, #tpu.memory_space<vmem>> -> memref<1x125xi32, #tpu.memory_space<vmem>>
      %dma_wait3A_295 = tpu.memref_squeeze %dma_wait3A_294 : memref<1x125xi32, #tpu.memory_space<vmem>> -> memref<125xi32, #tpu.memory_space<vmem>>
      %dma_wait3A_296 = arith.constant 0 : i32
      %dma_wait3A_297 = arith.constant 0 : i32
      %dma_wait3A_298 = tpu.memref_slice %arg2[%dma_wait3A_296, %dma_wait3A_297] : memref<10000x128xf32, #tpu.memory_space<hbm>> -> memref<10000x128xf32, #tpu.memory_space<hbm>>
      tpu.wait_indirect_dma semaphore(%arg16 : memref<!tpu.dma_semaphore, #tpu.memory_space<semaphore_mem>>) src(%dma_wait3A_298 : memref<10000x128xf32, #tpu.memory_space<hbm>>) dst(%arg11 : memref<125x128xf32, #tpu.memory_space<vmem>>)
      %run_scoped3A_299 = arith.constant 1 : i32
      "tpu.region"() ({
        %run_scoped3A_300 = tpu.sem_alloc : memref<!tpu.dma_semaphore, #tpu.memory_space<semaphore_mem>>
        %dma_start3A_301 = arith.constant 0 : i32
        %dma_start3A_302 = tpu.memref_slice %arg9[%run_scoped3A_299, %dma_start3A_301] : memref<2x125xi32, #tpu.memory_space<vmem>> -> memref<1x125xi32, #tpu.memory_space<vmem>>
        %dma_start3A_303 = tpu.memref_squeeze %dma_start3A_302 : memref<1x125xi32, #tpu.memory_space<vmem>> -> memref<125xi32, #tpu.memory_space<vmem>>
        %dma_start3A_304 = arith.constant 0 : i32
        %dma_start3A_305 = arith.constant 0 : i32
        %dma_start3A_306 = tpu.memref_slice %arg12[%dma_start3A_304, %dma_start3A_305] : memref<10240x128xf32, #tpu.memory_space<vmem_shared>> -> memref<10240x128xf32, #tpu.memory_space<vmem_shared>>
        tpu.enqueue_indirect_dma source(%arg11 : memref<125x128xf32, #tpu.memory_space<vmem>>) target(%dma_start3A_306 : memref<10240x128xf32, #tpu.memory_space<vmem_shared>>) offsets(%dma_start3A_303 : memref<125xi32, #tpu.memory_space<vmem>>) semaphore(%run_scoped3A_300 : memref<!tpu.dma_semaphore, #tpu.memory_space<semaphore_mem>>) {add = true}
        %dma_wait3A_307 = arith.constant 0 : i32
        %dma_wait3A_308 = tpu.memref_slice %arg9[%run_scoped3A_299, %dma_wait3A_307] : memref<2x125xi32, #tpu.memory_space<vmem>> -> memref<1x125xi32, #tpu.memory_space<vmem>>
        %dma_wait3A_309 = tpu.memref_squeeze %dma_wait3A_308 : memref<1x125xi32, #tpu.memory_space<vmem>> -> memref<125xi32, #tpu.memory_space<vmem>>
        %dma_wait3A_310 = arith.constant 0 : i32
        %dma_wait3A_311 = arith.constant 0 : i32
        %dma_wait3A_312 = tpu.memref_slice %arg12[%dma_wait3A_310, %dma_wait3A_311] : memref<10240x128xf32, #tpu.memory_space<vmem_shared>> -> memref<10240x128xf32, #tpu.memory_space<vmem_shared>>
        tpu.wait_indirect_dma semaphore(%run_scoped3A_300 : memref<!tpu.dma_semaphore, #tpu.memory_space<semaphore_mem>>) src(%arg11 : memref<125x128xf32, #tpu.memory_space<vmem>>) dst(%dma_wait3A_312 : memref<10240x128xf32, #tpu.memory_space<vmem_shared>>)
        tpu.yield
      }) : () -> ()
    }
    %scan3A_47 = arith.constant 39 : i32
    %dma_wait3A_48 = arith.constant 0 : i32
    %dma_wait3A_49 = arith.constant 0 : i32
    %dma_wait3A_50 = arith.constant 0 : i32
    %dma_wait3A_51 = tpu.memref_slice %arg3[%arg0, %arg1, %dma_wait3A_48, %dma_wait3A_49, %dma_wait3A_50] : memref<2x16x160x2x125xi32, #tpu.memory_space<hbm>> -> memref<1x1x1x2x125xi32, #tpu.memory_space<hbm>>
    %dma_wait3A_52 = tpu.memref_squeeze %dma_wait3A_51 : memref<1x1x1x2x125xi32, #tpu.memory_space<hbm>> -> memref<2x125xi32, #tpu.memory_space<hbm>>
    %dma_wait3A_53 = arith.constant 0 : i32
    %dma_wait3A_54 = arith.constant 0 : i32
    %dma_wait3A_55 = tpu.memref_slice %arg3[%arg0, %arg1, %dma_wait3A_48, %dma_wait3A_53, %dma_wait3A_54] : memref<2x16x160x2x125xi32, #tpu.memory_space<hbm>> -> memref<1x1x1x2x125xi32, #tpu.memory_space<hbm>>
    %dma_wait3A_56 = tpu.memref_squeeze %dma_wait3A_55 : memref<1x1x1x2x125xi32, #tpu.memory_space<hbm>> -> memref<2x125xi32, #tpu.memory_space<hbm>>
    tpu.wait_dma2 semaphore(%arg14 : memref<!tpu.dma_semaphore, #tpu.memory_space<semaphore_mem>>) src(%dma_wait3A_56 : memref<2x125xi32, #tpu.memory_space<hbm>>) dst(%arg6 : memref<2x125xi32, #tpu.memory_space<vmem>>)
    %dma_start3A_57 = arith.constant 0 : i32
    %dma_start3A_58 = arith.constant 0 : i32
    %dma_start3A_59 = tpu.memref_slice %arg7[%dma_start3A_57, %dma_start3A_58] : memref<2x125xi32, #tpu.memory_space<vmem>> -> memref<1x125xi32, #tpu.memory_space<vmem>>
    %dma_start3A_60 = tpu.memref_squeeze %dma_start3A_59 : memref<1x125xi32, #tpu.memory_space<vmem>> -> memref<125xi32, #tpu.memory_space<vmem>>
    %dma_start3A_61 = arith.constant 0 : i32
    %dma_start3A_62 = arith.constant 0 : i32
    %dma_start3A_63 = tpu.memref_slice %arg2[%dma_start3A_61, %dma_start3A_62] : memref<10000x128xf32, #tpu.memory_space<hbm>> -> memref<10000x128xf32, #tpu.memory_space<hbm>>
    tpu.enqueue_indirect_dma source(%dma_start3A_63 : memref<10000x128xf32, #tpu.memory_space<hbm>>) target(%arg11 : memref<125x128xf32, #tpu.memory_space<vmem>>) offsets(%dma_start3A_60 : memref<125xi32, #tpu.memory_space<vmem>>) semaphore(%arg16 : memref<!tpu.dma_semaphore, #tpu.memory_space<semaphore_mem>>)
    %dma_start3A_64 = arith.constant 159 : i32
    %dma_start3A_65 = arith.constant 0 : i32
    %dma_start3A_66 = arith.constant 0 : i32
    %dma_start3A_67 = tpu.memref_slice %arg3[%arg0, %arg1, %dma_start3A_64, %dma_start3A_65, %dma_start3A_66] : memref<2x16x160x2x125xi32, #tpu.memory_space<hbm>> -> memref<1x1x1x2x125xi32, #tpu.memory_space<hbm>>
    %dma_start3A_68 = tpu.memref_squeeze %dma_start3A_67 : memref<1x1x1x2x125xi32, #tpu.memory_space<hbm>> -> memref<2x125xi32, #tpu.memory_space<hbm>>
    %dma_start3A_69 = arith.constant 0 : i32
    %dma_start3A_70 = arith.constant 0 : i32
    %dma_start3A_71 = tpu.memref_slice %arg3[%arg0, %arg1, %dma_start3A_64, %dma_start3A_69, %dma_start3A_70] : memref<2x16x160x2x125xi32, #tpu.memory_space<hbm>> -> memref<1x1x1x2x125xi32, #tpu.memory_space<hbm>>
    %dma_start3A_72 = tpu.memref_squeeze %dma_start3A_71 : memref<1x1x1x2x125xi32, #tpu.memory_space<hbm>> -> memref<2x125xi32, #tpu.memory_space<hbm>>
    tpu.enqueue_dma source(%dma_start3A_72 : memref<2x125xi32, #tpu.memory_space<hbm>>) target(%arg9 : memref<2x125xi32, #tpu.memory_space<vmem>>) target_semaphore(%arg14 : memref<!tpu.dma_semaphore, #tpu.memory_space<semaphore_mem>>)
    %dma_wait3A_73 = arith.constant 0 : i32
    %dma_wait3A_74 = arith.constant 0 : i32
    %dma_wait3A_75 = tpu.memref_slice %arg6[%dma_wait3A_73, %dma_wait3A_74] : memref<2x125xi32, #tpu.memory_space<vmem>> -> memref<1x125xi32, #tpu.memory_space<vmem>>
    %dma_wait3A_76 = tpu.memref_squeeze %dma_wait3A_75 : memref<1x125xi32, #tpu.memory_space<vmem>> -> memref<125xi32, #tpu.memory_space<vmem>>
    %dma_wait3A_77 = arith.constant 0 : i32
    %dma_wait3A_78 = arith.constant 0 : i32
    %dma_wait3A_79 = tpu.memref_slice %arg2[%dma_wait3A_77, %dma_wait3A_78] : memref<10000x128xf32, #tpu.memory_space<hbm>> -> memref<10000x128xf32, #tpu.memory_space<hbm>>
    tpu.wait_indirect_dma semaphore(%arg15 : memref<!tpu.dma_semaphore, #tpu.memory_space<semaphore_mem>>) src(%dma_wait3A_79 : memref<10000x128xf32, #tpu.memory_space<hbm>>) dst(%arg10 : memref<125x128xf32, #tpu.memory_space<vmem>>)
    %run_scoped3A = arith.constant 1 : i32
    "tpu.region"() ({
      %run_scoped3A_143 = tpu.sem_alloc : memref<!tpu.dma_semaphore, #tpu.memory_space<semaphore_mem>>
      %dma_start3A_144 = arith.constant 0 : i32
      %dma_start3A_145 = tpu.memref_slice %arg6[%run_scoped3A, %dma_start3A_144] : memref<2x125xi32, #tpu.memory_space<vmem>> -> memref<1x125xi32, #tpu.memory_space<vmem>>
      %dma_start3A_146 = tpu.memref_squeeze %dma_start3A_145 : memref<1x125xi32, #tpu.memory_space<vmem>> -> memref<125xi32, #tpu.memory_space<vmem>>
      %dma_start3A_147 = arith.constant 0 : i32
      %dma_start3A_148 = arith.constant 0 : i32
      %dma_start3A_149 = tpu.memref_slice %arg12[%dma_start3A_147, %dma_start3A_148] : memref<10240x128xf32, #tpu.memory_space<vmem_shared>> -> memref<10240x128xf32, #tpu.memory_space<vmem_shared>>
      tpu.enqueue_indirect_dma source(%arg10 : memref<125x128xf32, #tpu.memory_space<vmem>>) target(%dma_start3A_149 : memref<10240x128xf32, #tpu.memory_space<vmem_shared>>) offsets(%dma_start3A_146 : memref<125xi32, #tpu.memory_space<vmem>>) semaphore(%run_scoped3A_143 : memref<!tpu.dma_semaphore, #tpu.memory_space<semaphore_mem>>) {add = true}
      %dma_wait3A_150 = arith.constant 0 : i32
      %dma_wait3A_151 = tpu.memref_slice %arg6[%run_scoped3A, %dma_wait3A_150] : memref<2x125xi32, #tpu.memory_space<vmem>> -> memref<1x125xi32, #tpu.memory_space<vmem>>
      %dma_wait3A_152 = tpu.memref_squeeze %dma_wait3A_151 : memref<1x125xi32, #tpu.memory_space<vmem>> -> memref<125xi32, #tpu.memory_space<vmem>>
      %dma_wait3A_153 = arith.constant 0 : i32
      %dma_wait3A_154 = arith.constant 0 : i32
      %dma_wait3A_155 = tpu.memref_slice %arg12[%dma_wait3A_153, %dma_wait3A_154] : memref<10240x128xf32, #tpu.memory_space<vmem_shared>> -> memref<10240x128xf32, #tpu.memory_space<vmem_shared>>
      tpu.wait_indirect_dma semaphore(%run_scoped3A_143 : memref<!tpu.dma_semaphore, #tpu.memory_space<semaphore_mem>>) src(%arg10 : memref<125x128xf32, #tpu.memory_space<vmem>>) dst(%dma_wait3A_155 : memref<10240x128xf32, #tpu.memory_space<vmem_shared>>)
      tpu.yield
    }) : () -> ()
    %dma_wait3A_80 = arith.constant 0 : i32
    %dma_wait3A_81 = arith.constant 0 : i32
    %dma_wait3A_82 = arith.constant 0 : i32
    %dma_wait3A_83 = tpu.memref_slice %arg3[%arg0, %arg1, %dma_wait3A_80, %dma_wait3A_81, %dma_wait3A_82] : memref<2x16x160x2x125xi32, #tpu.memory_space<hbm>> -> memref<1x1x1x2x125xi32, #tpu.memory_space<hbm>>
    %dma_wait3A_84 = tpu.memref_squeeze %dma_wait3A_83 : memref<1x1x1x2x125xi32, #tpu.memory_space<hbm>> -> memref<2x125xi32, #tpu.memory_space<hbm>>
    %dma_wait3A_85 = arith.constant 0 : i32
    %dma_wait3A_86 = arith.constant 0 : i32
    %dma_wait3A_87 = tpu.memref_slice %arg3[%arg0, %arg1, %dma_wait3A_80, %dma_wait3A_85, %dma_wait3A_86] : memref<2x16x160x2x125xi32, #tpu.memory_space<hbm>> -> memref<1x1x1x2x125xi32, #tpu.memory_space<hbm>>
    %dma_wait3A_88 = tpu.memref_squeeze %dma_wait3A_87 : memref<1x1x1x2x125xi32, #tpu.memory_space<hbm>> -> memref<2x125xi32, #tpu.memory_space<hbm>>
    tpu.wait_dma2 semaphore(%arg13 : memref<!tpu.dma_semaphore, #tpu.memory_space<semaphore_mem>>) src(%dma_wait3A_88 : memref<2x125xi32, #tpu.memory_space<hbm>>) dst(%arg6 : memref<2x125xi32, #tpu.memory_space<vmem>>)
    %dma_start3A_89 = arith.constant 0 : i32
    %dma_start3A_90 = arith.constant 0 : i32
    %dma_start3A_91 = tpu.memref_slice %arg8[%dma_start3A_89, %dma_start3A_90] : memref<2x125xi32, #tpu.memory_space<vmem>> -> memref<1x125xi32, #tpu.memory_space<vmem>>
    %dma_start3A_92 = tpu.memref_squeeze %dma_start3A_91 : memref<1x125xi32, #tpu.memory_space<vmem>> -> memref<125xi32, #tpu.memory_space<vmem>>
    %dma_start3A_93 = arith.constant 0 : i32
    %dma_start3A_94 = arith.constant 0 : i32
    %dma_start3A_95 = tpu.memref_slice %arg2[%dma_start3A_93, %dma_start3A_94] : memref<10000x128xf32, #tpu.memory_space<hbm>> -> memref<10000x128xf32, #tpu.memory_space<hbm>>
    tpu.enqueue_indirect_dma source(%dma_start3A_95 : memref<10000x128xf32, #tpu.memory_space<hbm>>) target(%arg10 : memref<125x128xf32, #tpu.memory_space<vmem>>) offsets(%dma_start3A_92 : memref<125xi32, #tpu.memory_space<vmem>>) semaphore(%arg15 : memref<!tpu.dma_semaphore, #tpu.memory_space<semaphore_mem>>)
    %dma_wait3A_96 = arith.constant 0 : i32
    %dma_wait3A_97 = arith.constant 0 : i32
    %dma_wait3A_98 = tpu.memref_slice %arg6[%dma_wait3A_96, %dma_wait3A_97] : memref<2x125xi32, #tpu.memory_space<vmem>> -> memref<1x125xi32, #tpu.memory_space<vmem>>
    %dma_wait3A_99 = tpu.memref_squeeze %dma_wait3A_98 : memref<1x125xi32, #tpu.memory_space<vmem>> -> memref<125xi32, #tpu.memory_space<vmem>>
    %dma_wait3A_100 = arith.constant 0 : i32
    %dma_wait3A_101 = arith.constant 0 : i32
    %dma_wait3A_102 = tpu.memref_slice %arg2[%dma_wait3A_100, %dma_wait3A_101] : memref<10000x128xf32, #tpu.memory_space<hbm>> -> memref<10000x128xf32, #tpu.memory_space<hbm>>
    tpu.wait_indirect_dma semaphore(%arg16 : memref<!tpu.dma_semaphore, #tpu.memory_space<semaphore_mem>>) src(%dma_wait3A_102 : memref<10000x128xf32, #tpu.memory_space<hbm>>) dst(%arg11 : memref<125x128xf32, #tpu.memory_space<vmem>>)
    %run_scoped3A_103 = arith.constant 1 : i32
    "tpu.region"() ({
      %run_scoped3A_143 = tpu.sem_alloc : memref<!tpu.dma_semaphore, #tpu.memory_space<semaphore_mem>>
      %dma_start3A_144 = arith.constant 0 : i32
      %dma_start3A_145 = tpu.memref_slice %arg7[%run_scoped3A_103, %dma_start3A_144] : memref<2x125xi32, #tpu.memory_space<vmem>> -> memref<1x125xi32, #tpu.memory_space<vmem>>
      %dma_start3A_146 = tpu.memref_squeeze %dma_start3A_145 : memref<1x125xi32, #tpu.memory_space<vmem>> -> memref<125xi32, #tpu.memory_space<vmem>>
      %dma_start3A_147 = arith.constant 0 : i32
      %dma_start3A_148 = arith.constant 0 : i32
      %dma_start3A_149 = tpu.memref_slice %arg12[%dma_start3A_147, %dma_start3A_148] : memref<10240x128xf32, #tpu.memory_space<vmem_shared>> -> memref<10240x128xf32, #tpu.memory_space<vmem_shared>>
      tpu.enqueue_indirect_dma source(%arg11 : memref<125x128xf32, #tpu.memory_space<vmem>>) target(%dma_start3A_149 : memref<10240x128xf32, #tpu.memory_space<vmem_shared>>) offsets(%dma_start3A_146 : memref<125xi32, #tpu.memory_space<vmem>>) semaphore(%run_scoped3A_143 : memref<!tpu.dma_semaphore, #tpu.memory_space<semaphore_mem>>) {add = true}
      %dma_wait3A_150 = arith.constant 0 : i32
      %dma_wait3A_151 = tpu.memref_slice %arg7[%run_scoped3A_103, %dma_wait3A_150] : memref<2x125xi32, #tpu.memory_space<vmem>> -> memref<1x125xi32, #tpu.memory_space<vmem>>
      %dma_wait3A_152 = tpu.memref_squeeze %dma_wait3A_151 : memref<1x125xi32, #tpu.memory_space<vmem>> -> memref<125xi32, #tpu.memory_space<vmem>>
      %dma_wait3A_153 = arith.constant 0 : i32
      %dma_wait3A_154 = arith.constant 0 : i32
      %dma_wait3A_155 = tpu.memref_slice %arg12[%dma_wait3A_153, %dma_wait3A_154] : memref<10240x128xf32, #tpu.memory_space<vmem_shared>> -> memref<10240x128xf32, #tpu.memory_space<vmem_shared>>
      tpu.wait_indirect_dma semaphore(%run_scoped3A_143 : memref<!tpu.dma_semaphore, #tpu.memory_space<semaphore_mem>>) src(%arg11 : memref<125x128xf32, #tpu.memory_space<vmem>>) dst(%dma_wait3A_155 : memref<10240x128xf32, #tpu.memory_space<vmem_shared>>)
      tpu.yield
    }) : () -> ()
    %dma_wait3A_104 = arith.constant 0 : i32
    %dma_wait3A_105 = arith.constant 0 : i32
    %dma_wait3A_106 = arith.constant 0 : i32
    %dma_wait3A_107 = tpu.memref_slice %arg3[%arg0, %arg1, %dma_wait3A_104, %dma_wait3A_105, %dma_wait3A_106] : memref<2x16x160x2x125xi32, #tpu.memory_space<hbm>> -> memref<1x1x1x2x125xi32, #tpu.memory_space<hbm>>
    %dma_wait3A_108 = tpu.memref_squeeze %dma_wait3A_107 : memref<1x1x1x2x125xi32, #tpu.memory_space<hbm>> -> memref<2x125xi32, #tpu.memory_space<hbm>>
    %dma_wait3A_109 = arith.constant 0 : i32
    %dma_wait3A_110 = arith.constant 0 : i32
    %dma_wait3A_111 = tpu.memref_slice %arg3[%arg0, %arg1, %dma_wait3A_104, %dma_wait3A_109, %dma_wait3A_110] : memref<2x16x160x2x125xi32, #tpu.memory_space<hbm>> -> memref<1x1x1x2x125xi32, #tpu.memory_space<hbm>>
    %dma_wait3A_112 = tpu.memref_squeeze %dma_wait3A_111 : memref<1x1x1x2x125xi32, #tpu.memory_space<hbm>> -> memref<2x125xi32, #tpu.memory_space<hbm>>
    tpu.wait_dma2 semaphore(%arg14 : memref<!tpu.dma_semaphore, #tpu.memory_space<semaphore_mem>>) src(%dma_wait3A_112 : memref<2x125xi32, #tpu.memory_space<hbm>>) dst(%arg6 : memref<2x125xi32, #tpu.memory_space<vmem>>)
    %dma_start3A_113 = arith.constant 0 : i32
    %dma_start3A_114 = arith.constant 0 : i32
    %dma_start3A_115 = tpu.memref_slice %arg9[%dma_start3A_113, %dma_start3A_114] : memref<2x125xi32, #tpu.memory_space<vmem>> -> memref<1x125xi32, #tpu.memory_space<vmem>>
    %dma_start3A_116 = tpu.memref_squeeze %dma_start3A_115 : memref<1x125xi32, #tpu.memory_space<vmem>> -> memref<125xi32, #tpu.memory_space<vmem>>
    %dma_start3A_117 = arith.constant 0 : i32
    %dma_start3A_118 = arith.constant 0 : i32
    %dma_start3A_119 = tpu.memref_slice %arg2[%dma_start3A_117, %dma_start3A_118] : memref<10000x128xf32, #tpu.memory_space<hbm>> -> memref<10000x128xf32, #tpu.memory_space<hbm>>
    tpu.enqueue_indirect_dma source(%dma_start3A_119 : memref<10000x128xf32, #tpu.memory_space<hbm>>) target(%arg11 : memref<125x128xf32, #tpu.memory_space<vmem>>) offsets(%dma_start3A_116 : memref<125xi32, #tpu.memory_space<vmem>>) semaphore(%arg16 : memref<!tpu.dma_semaphore, #tpu.memory_space<semaphore_mem>>)
    %dma_wait3A_120 = arith.constant 0 : i32
    %dma_wait3A_121 = arith.constant 0 : i32
    %dma_wait3A_122 = tpu.memref_slice %arg6[%dma_wait3A_120, %dma_wait3A_121] : memref<2x125xi32, #tpu.memory_space<vmem>> -> memref<1x125xi32, #tpu.memory_space<vmem>>
    %dma_wait3A_123 = tpu.memref_squeeze %dma_wait3A_122 : memref<1x125xi32, #tpu.memory_space<vmem>> -> memref<125xi32, #tpu.memory_space<vmem>>
    %dma_wait3A_124 = arith.constant 0 : i32
    %dma_wait3A_125 = arith.constant 0 : i32
    %dma_wait3A_126 = tpu.memref_slice %arg2[%dma_wait3A_124, %dma_wait3A_125] : memref<10000x128xf32, #tpu.memory_space<hbm>> -> memref<10000x128xf32, #tpu.memory_space<hbm>>
    tpu.wait_indirect_dma semaphore(%arg15 : memref<!tpu.dma_semaphore, #tpu.memory_space<semaphore_mem>>) src(%dma_wait3A_126 : memref<10000x128xf32, #tpu.memory_space<hbm>>) dst(%arg10 : memref<125x128xf32, #tpu.memory_space<vmem>>)
    %run_scoped3A_127 = arith.constant 1 : i32
    "tpu.region"() ({
      %run_scoped3A_143 = tpu.sem_alloc : memref<!tpu.dma_semaphore, #tpu.memory_space<semaphore_mem>>
      %dma_start3A_144 = arith.constant 0 : i32
      %dma_start3A_145 = tpu.memref_slice %arg8[%run_scoped3A_127, %dma_start3A_144] : memref<2x125xi32, #tpu.memory_space<vmem>> -> memref<1x125xi32, #tpu.memory_space<vmem>>
      %dma_start3A_146 = tpu.memref_squeeze %dma_start3A_145 : memref<1x125xi32, #tpu.memory_space<vmem>> -> memref<125xi32, #tpu.memory_space<vmem>>
      %dma_start3A_147 = arith.constant 0 : i32
      %dma_start3A_148 = arith.constant 0 : i32
      %dma_start3A_149 = tpu.memref_slice %arg12[%dma_start3A_147, %dma_start3A_148] : memref<10240x128xf32, #tpu.memory_space<vmem_shared>> -> memref<10240x128xf32, #tpu.memory_space<vmem_shared>>
      tpu.enqueue_indirect_dma source(%arg10 : memref<125x128xf32, #tpu.memory_space<vmem>>) target(%dma_start3A_149 : memref<10240x128xf32, #tpu.memory_space<vmem_shared>>) offsets(%dma_start3A_146 : memref<125xi32, #tpu.memory_space<vmem>>) semaphore(%run_scoped3A_143 : memref<!tpu.dma_semaphore, #tpu.memory_space<semaphore_mem>>) {add = true}
      %dma_wait3A_150 = arith.constant 0 : i32
      %dma_wait3A_151 = tpu.memref_slice %arg8[%run_scoped3A_127, %dma_wait3A_150] : memref<2x125xi32, #tpu.memory_space<vmem>> -> memref<1x125xi32, #tpu.memory_space<vmem>>
      %dma_wait3A_152 = tpu.memref_squeeze %dma_wait3A_151 : memref<1x125xi32, #tpu.memory_space<vmem>> -> memref<125xi32, #tpu.memory_space<vmem>>
      %dma_wait3A_153 = arith.constant 0 : i32
      %dma_wait3A_154 = arith.constant 0 : i32
      %dma_wait3A_155 = tpu.memref_slice %arg12[%dma_wait3A_153, %dma_wait3A_154] : memref<10240x128xf32, #tpu.memory_space<vmem_shared>> -> memref<10240x128xf32, #tpu.memory_space<vmem_shared>>
      tpu.wait_indirect_dma semaphore(%run_scoped3A_143 : memref<!tpu.dma_semaphore, #tpu.memory_space<semaphore_mem>>) src(%arg10 : memref<125x128xf32, #tpu.memory_space<vmem>>) dst(%dma_wait3A_155 : memref<10240x128xf32, #tpu.memory_space<vmem_shared>>)
      tpu.yield
    }) : () -> ()
    %dma_wait3A_128 = arith.constant 0 : i32
    %dma_wait3A_129 = arith.constant 0 : i32
    %dma_wait3A_130 = tpu.memref_slice %arg6[%dma_wait3A_128, %dma_wait3A_129] : memref<2x125xi32, #tpu.memory_space<vmem>> -> memref<1x125xi32, #tpu.memory_space<vmem>>
    %dma_wait3A_131 = tpu.memref_squeeze %dma_wait3A_130 : memref<1x125xi32, #tpu.memory_space<vmem>> -> memref<125xi32, #tpu.memory_space<vmem>>
    %dma_wait3A_132 = arith.constant 0 : i32
    %dma_wait3A_133 = arith.constant 0 : i32
    %dma_wait3A_134 = tpu.memref_slice %arg2[%dma_wait3A_132, %dma_wait3A_133] : memref<10000x128xf32, #tpu.memory_space<hbm>> -> memref<10000x128xf32, #tpu.memory_space<hbm>>
    tpu.wait_indirect_dma semaphore(%arg16 : memref<!tpu.dma_semaphore, #tpu.memory_space<semaphore_mem>>) src(%dma_wait3A_134 : memref<10000x128xf32, #tpu.memory_space<hbm>>) dst(%arg11 : memref<125x128xf32, #tpu.memory_space<vmem>>)
    %run_scoped3A_135 = arith.constant 1 : i32
    "tpu.region"() ({
      %run_scoped3A_143 = tpu.sem_alloc : memref<!tpu.dma_semaphore, #tpu.memory_space<semaphore_mem>>
      %dma_start3A_144 = arith.constant 0 : i32
      %dma_start3A_145 = tpu.memref_slice %arg9[%run_scoped3A_135, %dma_start3A_144] : memref<2x125xi32, #tpu.memory_space<vmem>> -> memref<1x125xi32, #tpu.memory_space<vmem>>
      %dma_start3A_146 = tpu.memref_squeeze %dma_start3A_145 : memref<1x125xi32, #tpu.memory_space<vmem>> -> memref<125xi32, #tpu.memory_space<vmem>>
      %dma_start3A_147 = arith.constant 0 : i32
      %dma_start3A_148 = arith.constant 0 : i32
      %dma_start3A_149 = tpu.memref_slice %arg12[%dma_start3A_147, %dma_start3A_148] : memref<10240x128xf32, #tpu.memory_space<vmem_shared>> -> memref<10240x128xf32, #tpu.memory_space<vmem_shared>>
      tpu.enqueue_indirect_dma source(%arg11 : memref<125x128xf32, #tpu.memory_space<vmem>>) target(%dma_start3A_149 : memref<10240x128xf32, #tpu.memory_space<vmem_shared>>) offsets(%dma_start3A_146 : memref<125xi32, #tpu.memory_space<vmem>>) semaphore(%run_scoped3A_143 : memref<!tpu.dma_semaphore, #tpu.memory_space<semaphore_mem>>) {add = true}
      %dma_wait3A_150 = arith.constant 0 : i32
      %dma_wait3A_151 = tpu.memref_slice %arg9[%run_scoped3A_135, %dma_wait3A_150] : memref<2x125xi32, #tpu.memory_space<vmem>> -> memref<1x125xi32, #tpu.memory_space<vmem>>
      %dma_wait3A_152 = tpu.memref_squeeze %dma_wait3A_151 : memref<1x125xi32, #tpu.memory_space<vmem>> -> memref<125xi32, #tpu.memory_space<vmem>>
      %dma_wait3A_153 = arith.constant 0 : i32
      %dma_wait3A_154 = arith.constant 0 : i32
      %dma_wait3A_155 = tpu.memref_slice %arg12[%dma_wait3A_153, %dma_wait3A_154] : memref<10240x128xf32, #tpu.memory_space<vmem_shared>> -> memref<10240x128xf32, #tpu.memory_space<vmem_shared>>
      tpu.wait_indirect_dma semaphore(%run_scoped3A_143 : memref<!tpu.dma_semaphore, #tpu.memory_space<semaphore_mem>>) src(%arg11 : memref<125x128xf32, #tpu.memory_space<vmem>>) dst(%dma_wait3A_155 : memref<10240x128xf32, #tpu.memory_space<vmem_shared>>)
      tpu.yield
    }) : () -> ()
    %barrier3A_136 = arith.constant 0 : index
    tpu.barrier barrier_id(%barrier3A_136)
    %mul3A_137 = arith.constant 640 : i32
    %mul3A_138 = arith.muli %arg1, %mul3A_137 : i32
    %mul3A_139 = arith.constant 10240 : i32
    %mul3A_140 = arith.muli %arg0, %mul3A_139 : i32
    %mul3A_141 = arith.constant 640 : i32
    %mul3A_142 = arith.muli %arg1, %mul3A_141 : i32
    %add3A = arith.addi %mul3A_140, %mul3A_142 : i32
    "tpu.region"() ({
      %run_scoped3A_143 = tpu.sem_alloc : memref<!tpu.dma_semaphore, #tpu.memory_space<semaphore_mem>>
      %dma_start3A_144 = arith.constant 0 : i32
      %dma_start3A_145 = tpu.memref_slice %arg5[%add3A, %dma_start3A_144] : memref<20480x128xf32, #tpu.memory_space<hbm>> -> memref<640x128xf32, #tpu.memory_space<hbm>>
      %dma_start3A_146 = arith.constant 0 : i32
      %dma_start3A_147 = tpu.memref_slice %arg12[%mul3A_138, %dma_start3A_146] : memref<10240x128xf32, #tpu.memory_space<vmem_shared>> -> memref<640x128xf32, #tpu.memory_space<vmem_shared>>
      tpu.enqueue_dma source(%dma_start3A_147 : memref<640x128xf32, #tpu.memory_space<vmem_shared>>) target(%dma_start3A_145 : memref<640x128xf32, #tpu.memory_space<hbm>>) target_semaphore(%run_scoped3A_143 : memref<!tpu.dma_semaphore, #tpu.memory_space<semaphore_mem>>)
      %dma_wait3A_148 = arith.constant 0 : i32
      %dma_wait3A_149 = tpu.memref_slice %arg5[%add3A, %dma_wait3A_148] : memref<20480x128xf32, #tpu.memory_space<hbm>> -> memref<640x128xf32, #tpu.memory_space<hbm>>
      %dma_wait3A_150 = arith.constant 0 : i32
      %dma_wait3A_151 = tpu.memref_slice %arg12[%mul3A_138, %dma_wait3A_150] : memref<10240x128xf32, #tpu.memory_space<vmem_shared>> -> memref<640x128xf32, #tpu.memory_space<vmem_shared>>
      tpu.wait_dma2 semaphore(%run_scoped3A_143 : memref<!tpu.dma_semaphore, #tpu.memory_space<semaphore_mem>>) src(%dma_wait3A_151 : memref<640x128xf32, #tpu.memory_space<vmem_shared>>) dst(%dma_wait3A_149 : memref<640x128xf32, #tpu.memory_space<hbm>>)
      tpu.yield
    }) : () -> ()
    return
  }
}

module attributes {stable_mosaic.version = 14 : i64} {
  func.func @_tc_body(%arg0: i32, %arg1: memref<512x128xf32, #tpu.memory_space<vmem>>, %arg2: memref<512x128xf32, #tpu.memory_space<vmem>>, %arg3: memref<512x128xf32, #tpu.memory_space<vmem>>, %arg4: memref<1x2xf32, #tpu.memory_space<vmem>>, %arg5: memref<128x64xf32, #tpu.memory_space<vmem>>, %arg6: memref<1x64xf32, #tpu.memory_space<vmem>>, %arg7: memref<1x64xf32, #tpu.memory_space<vmem>>, %arg8: memref<64x128xf32, #tpu.memory_space<vmem>>, %arg9: memref<128x64xf32, #tpu.memory_space<vmem>>, %arg10: memref<1x64xf32, #tpu.memory_space<vmem>>, %arg11: memref<1x64xf32, #tpu.memory_space<vmem>>, %arg12: memref<64x128xf32, #tpu.memory_space<vmem>>, %arg13: memref<1x128xf32, #tpu.memory_space<vmem>>, %arg14: memref<1x128xf32, #tpu.memory_space<vmem>>, %arg15: memref<1x128xf32, #tpu.memory_space<vmem>>, %arg16: memref<1x128xf32, #tpu.memory_space<vmem>>, %arg17: memref<2x128xf32, #tpu.memory_space<vmem>>, %arg18: memref<128x128xf32, #tpu.memory_space<vmem>>, %arg19: memref<128x128xf32, #tpu.memory_space<vmem>>, %arg20: memref<1x128xf32, #tpu.memory_space<vmem>>, %arg21: memref<512x128xf32, #tpu.memory_space<vmem>>) attributes {dimension_semantics = [#tpu.dimension_semantics<arbitrary>], iteration_bounds = array<i64: 20>, scalar_prefetch = 0 : i64, scratch_operands = 0 : i64, tpu.core_type = #tpu.core_type<tc>, window_params = [{transform_indices = @transform_0, window_bounds = array<i64: 512, 128>}, {transform_indices = @transform_1, window_bounds = array<i64: 512, 128>}, {transform_indices = @transform_2, window_bounds = array<i64: 512, 128>}, {pipeline_mode = #tpu.pipeline_mode<synchronous>, transform_indices = @transform_3, window_bounds = array<i64: 1, 2>}, {pipeline_mode = #tpu.pipeline_mode<synchronous>, transform_indices = @transform_4, window_bounds = array<i64: 128, 64>}, {pipeline_mode = #tpu.pipeline_mode<synchronous>, transform_indices = @transform_5, window_bounds = array<i64: 1, 64>}, {pipeline_mode = #tpu.pipeline_mode<synchronous>, transform_indices = @transform_6, window_bounds = array<i64: 1, 64>}, {pipeline_mode = #tpu.pipeline_mode<synchronous>, transform_indices = @transform_7, window_bounds = array<i64: 64, 128>}, {pipeline_mode = #tpu.pipeline_mode<synchronous>, transform_indices = @transform_8, window_bounds = array<i64: 128, 64>}, {pipeline_mode = #tpu.pipeline_mode<synchronous>, transform_indices = @transform_9, window_bounds = array<i64: 1, 64>}, {pipeline_mode = #tpu.pipeline_mode<synchronous>, transform_indices = @transform_10, window_bounds = array<i64: 1, 64>}, {pipeline_mode = #tpu.pipeline_mode<synchronous>, transform_indices = @transform_11, window_bounds = array<i64: 64, 128>}, {pipeline_mode = #tpu.pipeline_mode<synchronous>, transform_indices = @transform_12, window_bounds = array<i64: 1, 128>}, {pipeline_mode = #tpu.pipeline_mode<synchronous>, transform_indices = @transform_13, window_bounds = array<i64: 1, 128>}, {pipeline_mode = #tpu.pipeline_mode<synchronous>, transform_indices = @transform_14, window_bounds = array<i64: 1, 128>}, {pipeline_mode = #tpu.pipeline_mode<synchronous>, transform_indices = @transform_15, window_bounds = array<i64: 1, 128>}, {pipeline_mode = #tpu.pipeline_mode<synchronous>, transform_indices = @transform_16, window_bounds = array<i64: 2, 128>}, {pipeline_mode = #tpu.pipeline_mode<synchronous>, transform_indices = @transform_17, window_bounds = array<i64: 128, 128>}, {pipeline_mode = #tpu.pipeline_mode<synchronous>, transform_indices = @transform_18, window_bounds = array<i64: 128, 128>}, {pipeline_mode = #tpu.pipeline_mode<synchronous>, transform_indices = @transform_19, window_bounds = array<i64: 1, 128>}, {transform_indices = @transform_20, window_bounds = array<i64: 512, 128>}]} {
    %get3A = arith.constant 0 : index
    %get3A_0 = arith.constant 0 : index
    %get3A_1 = vector.load %arg1[%get3A, %get3A_0] : memref<512x128xf32, #tpu.memory_space<vmem>>, vector<512x128xf32>
    %get3A_2 = arith.constant 0 : index
    %get3A_3 = arith.constant 0 : index
    %get3A_4 = vector.load %arg2[%get3A_2, %get3A_3] : memref<512x128xf32, #tpu.memory_space<vmem>>, vector<512x128xf32>
    %get3A_5 = arith.constant 0 : index
    %get3A_6 = arith.constant 0 : index
    %get3A_7 = vector.load %arg4[%get3A_5, %get3A_6] : memref<1x2xf32, #tpu.memory_space<vmem>>, vector<1x1xf32>
    %get3A_8 = vector.extract %get3A_7[0, 0] : f32 from vector<1x1xf32>
    %get3A_9 = arith.constant 0 : index
    %get3A_10 = arith.constant 0 : index
    %get3A_11 = vector.load %arg5[%get3A_9, %get3A_10] : memref<128x64xf32, #tpu.memory_space<vmem>>, vector<128x64xf32>
    %get3A_12 = arith.constant 0 : index
    %get3A_13 = arith.constant 0 : index
    %get3A_14 = vector.load %arg6[%get3A_12, %get3A_13] : memref<1x64xf32, #tpu.memory_space<vmem>>, vector<1x64xf32>
    %get3A_15 = arith.constant 0 : index
    %get3A_16 = arith.constant 0 : index
    %get3A_17 = vector.load %arg7[%get3A_15, %get3A_16] : memref<1x64xf32, #tpu.memory_space<vmem>>, vector<1x64xf32>
    %get3A_18 = arith.constant 0 : index
    %get3A_19 = arith.constant 0 : index
    %get3A_20 = vector.load %arg8[%get3A_18, %get3A_19] : memref<64x128xf32, #tpu.memory_space<vmem>>, vector<64x128xf32>
    %add3A = arith.constant 1.000000e+00 : f32
    %add3A_21 = arith.addf %add3A, %get3A_8 : f32
    %mul3A = vector.broadcast %add3A_21 : f32 to vector<512x128xf32>
    %mul3A_22 = arith.mulf %mul3A, %get3A_1 : vector<512x128xf32>
    %add3A_23 = arith.addf %mul3A_22, %get3A_4 : vector<512x128xf32>
    %dot_general3A = arith.constant dense<0.000000e+00> : vector<512x64xf32>
    %dot_general3A_24 = tpu.matmul %add3A_23, %get3A_11, %dot_general3A {dimension_numbers = #tpu.dot_dimension_numbers<[1], [0], [0], [1], [0, 0, 1, 1], [], []>, transpose_lhs_hint = false} : vector<512x128xf32>, vector<128x64xf32>, vector<512x64xf32> -> vector<512x64xf32>
    %reduce_sum3A = arith.constant dense<0.000000e+00> : vector<512xf32>
    %reduce_sum3A_25 = vector.multi_reduction <add>, %dot_general3A_24, %reduce_sum3A [1] : vector<512x64xf32> to vector<512xf32>
    %broadcast_in_dim3A = vector.shape_cast %reduce_sum3A_25 : vector<512xf32> to vector<512x1xf32>
    %div3A = arith.constant 6.400000e+01 : f32
    %div3A_26 = vector.broadcast %div3A : f32 to vector<512x1xf32>
    %div3A_27 = arith.divf %broadcast_in_dim3A, %div3A_26 : vector<512x1xf32>
    %sub3A = vector.broadcast %div3A_27 : vector<512x1xf32> to vector<512x64xf32>
    %sub3A_28 = arith.subf %dot_general3A_24, %sub3A : vector<512x64xf32>
    %sub3A_29 = vector.broadcast %div3A_27 : vector<512x1xf32> to vector<512x64xf32>
    %sub3A_30 = arith.subf %dot_general3A_24, %sub3A_29 : vector<512x64xf32>
    %mul3A_31 = arith.mulf %sub3A_28, %sub3A_30 : vector<512x64xf32>
    %reduce_sum3A_32 = arith.constant dense<0.000000e+00> : vector<512xf32>
    %reduce_sum3A_33 = vector.multi_reduction <add>, %mul3A_31, %reduce_sum3A_32 [1] : vector<512x64xf32> to vector<512xf32>
    %broadcast_in_dim3A_34 = vector.shape_cast %reduce_sum3A_33 : vector<512xf32> to vector<512x1xf32>
    %div3A_35 = arith.constant 6.400000e+01 : f32
    %div3A_36 = vector.broadcast %div3A_35 : f32 to vector<512x1xf32>
    %div3A_37 = arith.divf %broadcast_in_dim3A_34, %div3A_36 : vector<512x1xf32>
    %sub3A_38 = vector.broadcast %div3A_27 : vector<512x1xf32> to vector<512x64xf32>
    %sub3A_39 = arith.subf %dot_general3A_24, %sub3A_38 : vector<512x64xf32>
    %add3A_40 = arith.constant 9.99999974E-6 : f32
    %add3A_41 = vector.broadcast %add3A_40 : f32 to vector<512x1xf32>
    %add3A_42 = arith.addf %div3A_37, %add3A_41 : vector<512x1xf32>
    %rsqrt3A = math.rsqrt %add3A_42 : vector<512x1xf32>
    %mul3A_43 = vector.broadcast %rsqrt3A : vector<512x1xf32> to vector<512x64xf32>
    %mul3A_44 = arith.mulf %sub3A_39, %mul3A_43 : vector<512x64xf32>
    %mul3A_45 = vector.broadcast %get3A_14 : vector<1x64xf32> to vector<512x64xf32>
    %mul3A_46 = arith.mulf %mul3A_44, %mul3A_45 : vector<512x64xf32>
    %add3A_47 = vector.broadcast %get3A_17 : vector<1x64xf32> to vector<512x64xf32>
    %add3A_48 = arith.addf %mul3A_46, %add3A_47 : vector<512x64xf32>
    %max3A = arith.constant 0.000000e+00 : f32
    %max3A_49 = vector.broadcast %max3A : f32 to vector<512x64xf32>
    %max3A_50 = arith.maximumf %add3A_48, %max3A_49 : vector<512x64xf32>
    %dot_general3A_51 = arith.constant dense<0.000000e+00> : vector<512x128xf32>
    %dot_general3A_52 = tpu.matmul %max3A_50, %get3A_20, %dot_general3A_51 {dimension_numbers = #tpu.dot_dimension_numbers<[1], [0], [0], [1], [0, 0, 1, 1], [], []>, transpose_lhs_hint = false} : vector<512x64xf32>, vector<64x128xf32>, vector<512x128xf32> -> vector<512x128xf32>
    %get3A_53 = arith.constant 0 : index
    %get3A_54 = arith.constant 0 : index
    %get3A_55 = vector.load %arg17[%get3A_53, %get3A_54] : memref<2x128xf32, #tpu.memory_space<vmem>>, vector<1x128xf32>
    %add3A_56 = vector.broadcast %get3A_55 : vector<1x128xf32> to vector<512x128xf32>
    %add3A_57 = arith.addf %dot_general3A_52, %add3A_56 : vector<512x128xf32>
    %max3A_58 = arith.constant 0.000000e+00 : f32
    %max3A_59 = vector.broadcast %max3A_58 : f32 to vector<512x128xf32>
    %max3A_60 = arith.maximumf %add3A_57, %max3A_59 : vector<512x128xf32>
    %get3A_61 = arith.constant 0 : index
    %get3A_62 = arith.constant 0 : index
    %get3A_63 = vector.load %arg13[%get3A_61, %get3A_62] : memref<1x128xf32, #tpu.memory_space<vmem>>, vector<1x128xf32>
    %get3A_64 = arith.constant 0 : index
    %get3A_65 = arith.constant 0 : index
    %get3A_66 = vector.load %arg14[%get3A_64, %get3A_65] : memref<1x128xf32, #tpu.memory_space<vmem>>, vector<1x128xf32>
    %reduce_sum3A_67 = arith.constant dense<0.000000e+00> : vector<512xf32>
    %reduce_sum3A_68 = vector.multi_reduction <add>, %max3A_60, %reduce_sum3A_67 [1] : vector<512x128xf32> to vector<512xf32>
    %broadcast_in_dim3A_69 = vector.shape_cast %reduce_sum3A_68 : vector<512xf32> to vector<512x1xf32>
    %div3A_70 = arith.constant 1.280000e+02 : f32
    %div3A_71 = vector.broadcast %div3A_70 : f32 to vector<512x1xf32>
    %div3A_72 = arith.divf %broadcast_in_dim3A_69, %div3A_71 : vector<512x1xf32>
    %sub3A_73 = vector.broadcast %div3A_72 : vector<512x1xf32> to vector<512x128xf32>
    %sub3A_74 = arith.subf %max3A_60, %sub3A_73 : vector<512x128xf32>
    %sub3A_75 = vector.broadcast %div3A_72 : vector<512x1xf32> to vector<512x128xf32>
    %sub3A_76 = arith.subf %max3A_60, %sub3A_75 : vector<512x128xf32>
    %mul3A_77 = arith.mulf %sub3A_74, %sub3A_76 : vector<512x128xf32>
    %reduce_sum3A_78 = arith.constant dense<0.000000e+00> : vector<512xf32>
    %reduce_sum3A_79 = vector.multi_reduction <add>, %mul3A_77, %reduce_sum3A_78 [1] : vector<512x128xf32> to vector<512xf32>
    %broadcast_in_dim3A_80 = vector.shape_cast %reduce_sum3A_79 : vector<512xf32> to vector<512x1xf32>
    %div3A_81 = arith.constant 1.280000e+02 : f32
    %div3A_82 = vector.broadcast %div3A_81 : f32 to vector<512x1xf32>
    %div3A_83 = arith.divf %broadcast_in_dim3A_80, %div3A_82 : vector<512x1xf32>
    %sub3A_84 = vector.broadcast %div3A_72 : vector<512x1xf32> to vector<512x128xf32>
    %sub3A_85 = arith.subf %max3A_60, %sub3A_84 : vector<512x128xf32>
    %add3A_86 = arith.constant 9.99999974E-6 : f32
    %add3A_87 = vector.broadcast %add3A_86 : f32 to vector<512x1xf32>
    %add3A_88 = arith.addf %div3A_83, %add3A_87 : vector<512x1xf32>
    %rsqrt3A_89 = math.rsqrt %add3A_88 : vector<512x1xf32>
    %mul3A_90 = vector.broadcast %rsqrt3A_89 : vector<512x1xf32> to vector<512x128xf32>
    %mul3A_91 = arith.mulf %sub3A_85, %mul3A_90 : vector<512x128xf32>
    %mul3A_92 = vector.broadcast %get3A_63 : vector<1x128xf32> to vector<512x128xf32>
    %mul3A_93 = arith.mulf %mul3A_91, %mul3A_92 : vector<512x128xf32>
    %add3A_94 = vector.broadcast %get3A_66 : vector<1x128xf32> to vector<512x128xf32>
    %add3A_95 = arith.addf %mul3A_93, %add3A_94 : vector<512x128xf32>
    %get3A_96 = arith.constant 0 : index
    %get3A_97 = arith.constant 0 : index
    %get3A_98 = vector.load %arg3[%get3A_96, %get3A_97] : memref<512x128xf32, #tpu.memory_space<vmem>>, vector<512x128xf32>
    %get3A_99 = arith.constant 0 : index
    %get3A_100 = arith.constant 1 : index
    %get3A_101 = vector.load %arg4[%get3A_99, %get3A_100] : memref<1x2xf32, #tpu.memory_space<vmem>>, vector<1x1xf32>
    %get3A_102 = vector.extract %get3A_101[0, 0] : f32 from vector<1x1xf32>
    %get3A_103 = arith.constant 0 : index
    %get3A_104 = arith.constant 0 : index
    %get3A_105 = vector.load %arg9[%get3A_103, %get3A_104] : memref<128x64xf32, #tpu.memory_space<vmem>>, vector<128x64xf32>
    %get3A_106 = arith.constant 0 : index
    %get3A_107 = arith.constant 0 : index
    %get3A_108 = vector.load %arg10[%get3A_106, %get3A_107] : memref<1x64xf32, #tpu.memory_space<vmem>>, vector<1x64xf32>
    %get3A_109 = arith.constant 0 : index
    %get3A_110 = arith.constant 0 : index
    %get3A_111 = vector.load %arg11[%get3A_109, %get3A_110] : memref<1x64xf32, #tpu.memory_space<vmem>>, vector<1x64xf32>
    %get3A_112 = arith.constant 0 : index
    %get3A_113 = arith.constant 0 : index
    %get3A_114 = vector.load %arg12[%get3A_112, %get3A_113] : memref<64x128xf32, #tpu.memory_space<vmem>>, vector<64x128xf32>
    %add3A_115 = arith.constant 1.000000e+00 : f32
    %add3A_116 = arith.addf %add3A_115, %get3A_102 : f32
    %mul3A_117 = vector.broadcast %add3A_116 : f32 to vector<512x128xf32>
    %mul3A_118 = arith.mulf %mul3A_117, %get3A_1 : vector<512x128xf32>
    %add3A_119 = arith.addf %mul3A_118, %get3A_98 : vector<512x128xf32>
    %dot_general3A_120 = arith.constant dense<0.000000e+00> : vector<512x64xf32>
    %dot_general3A_121 = tpu.matmul %add3A_119, %get3A_105, %dot_general3A_120 {dimension_numbers = #tpu.dot_dimension_numbers<[1], [0], [0], [1], [0, 0, 1, 1], [], []>, transpose_lhs_hint = false} : vector<512x128xf32>, vector<128x64xf32>, vector<512x64xf32> -> vector<512x64xf32>
    %reduce_sum3A_122 = arith.constant dense<0.000000e+00> : vector<512xf32>
    %reduce_sum3A_123 = vector.multi_reduction <add>, %dot_general3A_121, %reduce_sum3A_122 [1] : vector<512x64xf32> to vector<512xf32>
    %broadcast_in_dim3A_124 = vector.shape_cast %reduce_sum3A_123 : vector<512xf32> to vector<512x1xf32>
    %div3A_125 = arith.constant 6.400000e+01 : f32
    %div3A_126 = vector.broadcast %div3A_125 : f32 to vector<512x1xf32>
    %div3A_127 = arith.divf %broadcast_in_dim3A_124, %div3A_126 : vector<512x1xf32>
    %sub3A_128 = vector.broadcast %div3A_127 : vector<512x1xf32> to vector<512x64xf32>
    %sub3A_129 = arith.subf %dot_general3A_121, %sub3A_128 : vector<512x64xf32>
    %sub3A_130 = vector.broadcast %div3A_127 : vector<512x1xf32> to vector<512x64xf32>
    %sub3A_131 = arith.subf %dot_general3A_121, %sub3A_130 : vector<512x64xf32>
    %mul3A_132 = arith.mulf %sub3A_129, %sub3A_131 : vector<512x64xf32>
    %reduce_sum3A_133 = arith.constant dense<0.000000e+00> : vector<512xf32>
    %reduce_sum3A_134 = vector.multi_reduction <add>, %mul3A_132, %reduce_sum3A_133 [1] : vector<512x64xf32> to vector<512xf32>
    %broadcast_in_dim3A_135 = vector.shape_cast %reduce_sum3A_134 : vector<512xf32> to vector<512x1xf32>
    %div3A_136 = arith.constant 6.400000e+01 : f32
    %div3A_137 = vector.broadcast %div3A_136 : f32 to vector<512x1xf32>
    %div3A_138 = arith.divf %broadcast_in_dim3A_135, %div3A_137 : vector<512x1xf32>
    %sub3A_139 = vector.broadcast %div3A_127 : vector<512x1xf32> to vector<512x64xf32>
    %sub3A_140 = arith.subf %dot_general3A_121, %sub3A_139 : vector<512x64xf32>
    %add3A_141 = arith.constant 9.99999974E-6 : f32
    %add3A_142 = vector.broadcast %add3A_141 : f32 to vector<512x1xf32>
    %add3A_143 = arith.addf %div3A_138, %add3A_142 : vector<512x1xf32>
    %rsqrt3A_144 = math.rsqrt %add3A_143 : vector<512x1xf32>
    %mul3A_145 = vector.broadcast %rsqrt3A_144 : vector<512x1xf32> to vector<512x64xf32>
    %mul3A_146 = arith.mulf %sub3A_140, %mul3A_145 : vector<512x64xf32>
    %mul3A_147 = vector.broadcast %get3A_108 : vector<1x64xf32> to vector<512x64xf32>
    %mul3A_148 = arith.mulf %mul3A_146, %mul3A_147 : vector<512x64xf32>
    %add3A_149 = vector.broadcast %get3A_111 : vector<1x64xf32> to vector<512x64xf32>
    %add3A_150 = arith.addf %mul3A_148, %add3A_149 : vector<512x64xf32>
    %max3A_151 = arith.constant 0.000000e+00 : f32
    %max3A_152 = vector.broadcast %max3A_151 : f32 to vector<512x64xf32>
    %max3A_153 = arith.maximumf %add3A_150, %max3A_152 : vector<512x64xf32>
    %dot_general3A_154 = arith.constant dense<0.000000e+00> : vector<512x128xf32>
    %dot_general3A_155 = tpu.matmul %max3A_153, %get3A_114, %dot_general3A_154 {dimension_numbers = #tpu.dot_dimension_numbers<[1], [0], [0], [1], [0, 0, 1, 1], [], []>, transpose_lhs_hint = false} : vector<512x64xf32>, vector<64x128xf32>, vector<512x128xf32> -> vector<512x128xf32>
    %get3A_156 = arith.constant 1 : index
    %get3A_157 = arith.constant 0 : index
    %get3A_158 = vector.load %arg17[%get3A_156, %get3A_157] : memref<2x128xf32, #tpu.memory_space<vmem>>, vector<1x128xf32>
    %add3A_159 = vector.broadcast %get3A_158 : vector<1x128xf32> to vector<512x128xf32>
    %add3A_160 = arith.addf %dot_general3A_155, %add3A_159 : vector<512x128xf32>
    %max3A_161 = arith.constant 0.000000e+00 : f32
    %max3A_162 = vector.broadcast %max3A_161 : f32 to vector<512x128xf32>
    %max3A_163 = arith.maximumf %add3A_160, %max3A_162 : vector<512x128xf32>
    %get3A_164 = arith.constant 0 : index
    %get3A_165 = arith.constant 0 : index
    %get3A_166 = vector.load %arg15[%get3A_164, %get3A_165] : memref<1x128xf32, #tpu.memory_space<vmem>>, vector<1x128xf32>
    %get3A_167 = arith.constant 0 : index
    %get3A_168 = arith.constant 0 : index
    %get3A_169 = vector.load %arg16[%get3A_167, %get3A_168] : memref<1x128xf32, #tpu.memory_space<vmem>>, vector<1x128xf32>
    %reduce_sum3A_170 = arith.constant dense<0.000000e+00> : vector<512xf32>
    %reduce_sum3A_171 = vector.multi_reduction <add>, %max3A_163, %reduce_sum3A_170 [1] : vector<512x128xf32> to vector<512xf32>
    %broadcast_in_dim3A_172 = vector.shape_cast %reduce_sum3A_171 : vector<512xf32> to vector<512x1xf32>
    %div3A_173 = arith.constant 1.280000e+02 : f32
    %div3A_174 = vector.broadcast %div3A_173 : f32 to vector<512x1xf32>
    %div3A_175 = arith.divf %broadcast_in_dim3A_172, %div3A_174 : vector<512x1xf32>
    %sub3A_176 = vector.broadcast %div3A_175 : vector<512x1xf32> to vector<512x128xf32>
    %sub3A_177 = arith.subf %max3A_163, %sub3A_176 : vector<512x128xf32>
    %sub3A_178 = vector.broadcast %div3A_175 : vector<512x1xf32> to vector<512x128xf32>
    %sub3A_179 = arith.subf %max3A_163, %sub3A_178 : vector<512x128xf32>
    %mul3A_180 = arith.mulf %sub3A_177, %sub3A_179 : vector<512x128xf32>
    %reduce_sum3A_181 = arith.constant dense<0.000000e+00> : vector<512xf32>
    %reduce_sum3A_182 = vector.multi_reduction <add>, %mul3A_180, %reduce_sum3A_181 [1] : vector<512x128xf32> to vector<512xf32>
    %broadcast_in_dim3A_183 = vector.shape_cast %reduce_sum3A_182 : vector<512xf32> to vector<512x1xf32>
    %div3A_184 = arith.constant 1.280000e+02 : f32
    %div3A_185 = vector.broadcast %div3A_184 : f32 to vector<512x1xf32>
    %div3A_186 = arith.divf %broadcast_in_dim3A_183, %div3A_185 : vector<512x1xf32>
    %sub3A_187 = vector.broadcast %div3A_175 : vector<512x1xf32> to vector<512x128xf32>
    %sub3A_188 = arith.subf %max3A_163, %sub3A_187 : vector<512x128xf32>
    %add3A_189 = arith.constant 9.99999974E-6 : f32
    %add3A_190 = vector.broadcast %add3A_189 : f32 to vector<512x1xf32>
    %add3A_191 = arith.addf %div3A_186, %add3A_190 : vector<512x1xf32>
    %rsqrt3A_192 = math.rsqrt %add3A_191 : vector<512x1xf32>
    %mul3A_193 = vector.broadcast %rsqrt3A_192 : vector<512x1xf32> to vector<512x128xf32>
    %mul3A_194 = arith.mulf %sub3A_188, %mul3A_193 : vector<512x128xf32>
    %mul3A_195 = vector.broadcast %get3A_166 : vector<1x128xf32> to vector<512x128xf32>
    %mul3A_196 = arith.mulf %mul3A_194, %mul3A_195 : vector<512x128xf32>
    %add3A_197 = vector.broadcast %get3A_169 : vector<1x128xf32> to vector<512x128xf32>
    %add3A_198 = arith.addf %mul3A_196, %add3A_197 : vector<512x128xf32>
    %get3A_199 = arith.constant 0 : index
    %get3A_200 = arith.constant 0 : index
    %get3A_201 = vector.load %arg18[%get3A_199, %get3A_200] : memref<128x128xf32, #tpu.memory_space<vmem>>, vector<128x128xf32>
    %dot_general3A_202 = arith.constant dense<0.000000e+00> : vector<512x128xf32>
    %dot_general3A_203 = tpu.matmul %add3A_95, %get3A_201, %dot_general3A_202 {dimension_numbers = #tpu.dot_dimension_numbers<[1], [0], [0], [1], [0, 0, 1, 1], [], []>, transpose_lhs_hint = false} : vector<512x128xf32>, vector<128x128xf32>, vector<512x128xf32> -> vector<512x128xf32>
    %get3A_204 = arith.constant 0 : index
    %get3A_205 = arith.constant 0 : index
    %get3A_206 = vector.load %arg19[%get3A_204, %get3A_205] : memref<128x128xf32, #tpu.memory_space<vmem>>, vector<128x128xf32>
    %dot_general3A_207 = arith.constant dense<0.000000e+00> : vector<512x128xf32>
    %dot_general3A_208 = tpu.matmul %add3A_198, %get3A_206, %dot_general3A_207 {dimension_numbers = #tpu.dot_dimension_numbers<[1], [0], [0], [1], [0, 0, 1, 1], [], []>, transpose_lhs_hint = false} : vector<512x128xf32>, vector<128x128xf32>, vector<512x128xf32> -> vector<512x128xf32>
    %add3A_209 = arith.addf %dot_general3A_203, %dot_general3A_208 : vector<512x128xf32>
    %get3A_210 = arith.constant 0 : index
    %get3A_211 = arith.constant 0 : index
    %get3A_212 = vector.load %arg20[%get3A_210, %get3A_211] : memref<1x128xf32, #tpu.memory_space<vmem>>, vector<1x128xf32>
    %add3A_213 = vector.broadcast %get3A_212 : vector<1x128xf32> to vector<512x128xf32>
    %add3A_214 = arith.addf %add3A_209, %add3A_213 : vector<512x128xf32>
    %swap3A = arith.constant 0 : index
    %swap3A_215 = arith.constant 0 : index
    %swap3A_216 = vector.load %arg21[%swap3A, %swap3A_215] : memref<512x128xf32, #tpu.memory_space<vmem>>, vector<512x128xf32>
    tpu.vector_store %arg21[%swap3A, %swap3A_215], %add3A_214 {strides = array<i32>} : memref<512x128xf32, #tpu.memory_space<vmem>>, vector<512x128xf32>,
    return
  }
  func.func @transform_0(%arg0: i32) -> (i32, i32) {
    %c0_i32 = arith.constant 0 : i32
    %c0_i32_0 = arith.constant 0 : i32
    return %arg0, %c0_i32 : i32, i32
  }
  func.func @transform_1(%arg0: i32) -> (i32, i32) {
    %c0_i32 = arith.constant 0 : i32
    %c0_i32_0 = arith.constant 0 : i32
    return %arg0, %c0_i32 : i32, i32
  }
  func.func @transform_2(%arg0: i32) -> (i32, i32) {
    %add3A = arith.constant 20 : i32
    %add3A_0 = arith.addi %arg0, %add3A : i32
    %c0_i32 = arith.constant 0 : i32
    %c0_i32_1 = arith.constant 0 : i32
    return %add3A_0, %c0_i32 : i32, i32
  }
  func.func @transform_3(%arg0: i32) -> (i32, i32) {
    %c0_i32 = arith.constant 0 : i32
    %c0_i32_0 = arith.constant 0 : i32
    %c0_i32_1 = arith.constant 0 : i32
    return %c0_i32, %c0_i32_0 : i32, i32
  }
  func.func @transform_4(%arg0: i32) -> (i32, i32) {
    %c0_i32 = arith.constant 0 : i32
    %c0_i32_0 = arith.constant 0 : i32
    %c0_i32_1 = arith.constant 0 : i32
    return %c0_i32, %c0_i32_0 : i32, i32
  }
  func.func @transform_5(%arg0: i32) -> (i32, i32) {
    %c0_i32 = arith.constant 0 : i32
    %c0_i32_0 = arith.constant 0 : i32
    %c0_i32_1 = arith.constant 0 : i32
    return %c0_i32, %c0_i32_0 : i32, i32
  }
  func.func @transform_6(%arg0: i32) -> (i32, i32) {
    %c0_i32 = arith.constant 0 : i32
    %c0_i32_0 = arith.constant 0 : i32
    %c0_i32_1 = arith.constant 0 : i32
    return %c0_i32, %c0_i32_0 : i32, i32
  }
  func.func @transform_7(%arg0: i32) -> (i32, i32) {
    %c0_i32 = arith.constant 0 : i32
    %c0_i32_0 = arith.constant 0 : i32
    %c0_i32_1 = arith.constant 0 : i32
    return %c0_i32, %c0_i32_0 : i32, i32
  }
  func.func @transform_8(%arg0: i32) -> (i32, i32) {
    %c0_i32 = arith.constant 0 : i32
    %c0_i32_0 = arith.constant 0 : i32
    %c0_i32_1 = arith.constant 0 : i32
    return %c0_i32, %c0_i32_0 : i32, i32
  }
  func.func @transform_9(%arg0: i32) -> (i32, i32) {
    %c0_i32 = arith.constant 0 : i32
    %c0_i32_0 = arith.constant 0 : i32
    %c0_i32_1 = arith.constant 0 : i32
    return %c0_i32, %c0_i32_0 : i32, i32
  }
  func.func @transform_10(%arg0: i32) -> (i32, i32) {
    %c0_i32 = arith.constant 0 : i32
    %c0_i32_0 = arith.constant 0 : i32
    %c0_i32_1 = arith.constant 0 : i32
    return %c0_i32, %c0_i32_0 : i32, i32
  }
  func.func @transform_11(%arg0: i32) -> (i32, i32) {
    %c0_i32 = arith.constant 0 : i32
    %c0_i32_0 = arith.constant 0 : i32
    %c0_i32_1 = arith.constant 0 : i32
    return %c0_i32, %c0_i32_0 : i32, i32
  }
  func.func @transform_12(%arg0: i32) -> (i32, i32) {
    %c0_i32 = arith.constant 0 : i32
    %c0_i32_0 = arith.constant 0 : i32
    %c0_i32_1 = arith.constant 0 : i32
    return %c0_i32, %c0_i32_0 : i32, i32
  }
  func.func @transform_13(%arg0: i32) -> (i32, i32) {
    %c0_i32 = arith.constant 0 : i32
    %c0_i32_0 = arith.constant 0 : i32
    %c0_i32_1 = arith.constant 0 : i32
    return %c0_i32, %c0_i32_0 : i32, i32
  }
  func.func @transform_14(%arg0: i32) -> (i32, i32) {
    %c0_i32 = arith.constant 0 : i32
    %c0_i32_0 = arith.constant 0 : i32
    %c0_i32_1 = arith.constant 0 : i32
    return %c0_i32, %c0_i32_0 : i32, i32
  }
  func.func @transform_15(%arg0: i32) -> (i32, i32) {
    %c0_i32 = arith.constant 0 : i32
    %c0_i32_0 = arith.constant 0 : i32
    %c0_i32_1 = arith.constant 0 : i32
    return %c0_i32, %c0_i32_0 : i32, i32
  }
  func.func @transform_16(%arg0: i32) -> (i32, i32) {
    %c0_i32 = arith.constant 0 : i32
    %c0_i32_0 = arith.constant 0 : i32
    %c0_i32_1 = arith.constant 0 : i32
    return %c0_i32, %c0_i32_0 : i32, i32
  }
  func.func @transform_17(%arg0: i32) -> (i32, i32) {
    %c0_i32 = arith.constant 0 : i32
    %c0_i32_0 = arith.constant 0 : i32
    %c0_i32_1 = arith.constant 0 : i32
    return %c0_i32, %c0_i32_0 : i32, i32
  }
  func.func @transform_18(%arg0: i32) -> (i32, i32) {
    %c0_i32 = arith.constant 0 : i32
    %c0_i32_0 = arith.constant 0 : i32
    %c0_i32_1 = arith.constant 0 : i32
    return %c0_i32, %c0_i32_0 : i32, i32
  }
  func.func @transform_19(%arg0: i32) -> (i32, i32) {
    %c0_i32 = arith.constant 0 : i32
    %c0_i32_0 = arith.constant 0 : i32
    %c0_i32_1 = arith.constant 0 : i32
    return %c0_i32, %c0_i32_0 : i32, i32
  }
  func.func @transform_20(%arg0: i32) -> (i32, i32) {
    %c0_i32 = arith.constant 0 : i32
    %c0_i32_0 = arith.constant 0 : i32
    return %arg0, %c0_i32 : i32, i32
  }
}

</mosaic_0001>

<sc_bundles>
// kernel: kernel.4.cloned.1.call-start
scs
__scs_entry_jumppad:
0x0: {  	(pc) =	sbr.rel $0x88, $3  }
0x1: {  	(tag) =	ssettag $0x0;
	lr =	simm.s32 $0x1  }
0x2: {  	[smem:$0x3F8E] =	sst lr;
	_ =	strace $0xD0000000  }
0x3: {  	_ = 	snop  }
0x4: {  	_ = 	snop  }
0x5: {  	_ = 	snop  }
0x6: {  	_ = 	snop  }
0x7: {  	_ = 	snop  }
__scs_overlays_trampoline_lowered:
0x8: {  	[smem:$0x3F9D] =	sst s0  }
0x9: {  	[smem:$0x3F9E] =	sst s1  }
0xa: {  	[smem:$0x3F9F] =	sst s2  }
0xb: {  	[smem:$0x3FA0] =	sst s3  }
0xc: {  	[smem:$0x3FA1] =	sst s4  }
0xd: {  	[smem:$0x3FA2] =	sst s5  }
0xe: {  	[smem:$0x3FA3] =	sst s6  }
0xf: {  	[smem:$0x3FA4] =	sst s7  }
0x10: {  	[smem:$0x3FA5] =	sst s8  }
0x11: {  	[smem:$0x3FA6] =	sst s9;
	s0 =	simm.s32 @!p0 $0x0  }
0x12: {  	s1 =	sld [smem:$0x3F8C];
	s0 =	simm.s32 @p0 $0x1  }
0x13: {  	[smem:$0x3FA7] =	sst s0;
	s0 =	simm.s32 @!p1 $0x0  }
0x14: {  	s2 =	sld [smem:$0x3F8B];
	s0 =	simm.s32 @p1 $0x1  }
0x15: {  	[smem:$0x3FA8] =	sst s0;
	s0 =	simm.s32 @!p2 $0x0  }
0x16: {  	s3 =	sld [smem:$0x3FDB];
	s0 =	simm.s32 @p2 $0x1  }
0x17: {  	s4 =	simm.s32 $0x1BF5;
	[smem:$0x3FAA] =	sst s0  }
0x18: {  	s0 =	sld [smem:$0x3F8D];
	_ =	swait.ge [sflag:s4], $0x0  }
0x19: {  	s7 =	sld [smem:$0x3F8E]  }
0x1a: {  	s8 =	sadd.s32 $0xFFFFE003, lr  }
0x1b: {  	s9 =	sadd.s32 $0xFFFFFEF7, lr;
	s5 =	simm.s32 $0xFFFFFFFF;
	p2 =	slt.u32 s8, $0xFFFFF086  }
0x1c: {  	p1 =	slt.u32 s9, $0xF7A;
	s5 =	simm.s32 @!p2 $0x0  }
0x1d: {  	s5 =	simm.s32 @p1 $0x1;
	p0 =	seq.s32 s7, s2  }
0x1e: {  	s7 =	smul.u32 @!p0 $0xF7A, s2;
	p2 =	seq.s32 @!p0 s5, $0x0  }
0x1f: {  	s9 =	smul.u32 $0xF7A, s1;
	s8 =	simm.s32 @!p0 $0x1BF5;
	p2 =	por !p2, p0  }
0x20: {  	[sflag:s8] =	ssyncset.s32 @!p0 $0xFFFFF086;
	s6 =	sadd.s32 @!p0 s3, s7;
	s7 =	simm.s32 @!p0 $0x108  }
0x21: {  	s3 =	sadd.s32 s3, s9;
	s6 =	sadd.s32 @!p0 $0x88, s6;
	s7 =	simm.s32 @p2 $0x1082  }
0x22: {  	[simem:s7], [sflag:s8] =	dma.local @!p0 [hbm:s6], $0xF7A  }
0x23: {  	s9 =	sor.u32 $0xD0000000, s2;
	s6 =	simm.s32 $0x108;
	_ =	swait.ge @!p0 [sflag:s8], $0x0  }
0x24: {  	s3 =	sadd.s32 $0x88, s3;
	s6 =	simm.s32 @!p1 $0x1082;
	[sflag:s4] =	ssyncset.s32 $0xFFFFF086  }
0x25: {  	[simem:s6], [sflag:s4] =	dma.local [hbm:s3], $0xF7A  }
0x26: {  	[smem:$0x3F8E] =	sst s1;
	(tag) =	ssettag s2;
	_ =	strace s9  }
0x27: {  	s1 =	sld [smem:$0x3F9E]  }
0x28: {  	s2 =	sld [smem:$0x3F9F]  }
0x29: {  	s4 =	sld [smem:$0x3FA1]  }
0x2a: {  	p0 =	seq.s32 s5, $0x0;
	s5 =	sld [smem:$0x3FA2]  }
0x2b: {  	s6 =	sld [smem:$0x3FA3]  }
0x2c: {  	s7 =	sld [smem:$0x3FA4]  }
0x2d: {  	s3 =	simm.s32 $0x108;
	s8 =	sld [smem:$0x3FA5]  }
0x2e: {  	s3 =	simm.s32 @!p0 $0x1082;
	s9 =	sld [smem:$0x3FA6]  }
0x2f: {  	lr =	sadd.s32 s0, s3;
	s0 =	sld [smem:$0x3F9D]  }
0x30: {  	s3 =	sld [smem:$0x3FA0]  }
0x31: {  	[smem:$0x3FA9] =	sst s10  }
0x32: {  	s10 =	sld [smem:$0x3FA7];
	_ =	sdelay $0x3  }
0x33: {  	p0 =	seq.s32 s10, $0x1;
	s10 =	sld [smem:$0x3FA9];
	_ =	sdelay $0x3  }
0x34: {  	[smem:$0x3FA9] =	sst s10  }
0x35: {  	s10 =	sld [smem:$0x3FA8];
	_ =	sdelay $0x3  }
0x36: {  	p1 =	seq.s32 s10, $0x1;
	s10 =	sld [smem:$0x3FA9];
	_ =	sdelay $0x3  }
0x37: {  	[smem:$0x3FA9] =	sst s10  }
0x38: {  	s10 =	sld [smem:$0x3FAA]  }
0x39: {  	_ = 	snop;
	(pc) =	sbr.ind lr, $3  }
0x3a: {  	_ = 	snop  }
0x3b: {  	_ = 	snop  }
0x3c: {  	p2 =	seq.s32 s10, $0x1;
	s10 =	sld [smem:$0x3FA9]  }
0x3d: {  	_ =	shalt  }
0x3e: {  	_ =	shalt  }
0x3f: {  	_ =	shalt  }
0x40: {  	_ =	shalt  }
0x41: {  	_ =	shalt  }
0x42: {  	_ =	shalt  }
0x43: {  	_ =	shalt  }
0x44: {  	_ =	shalt  }
0x45: {  	_ =	shalt  }
0x46: {  	_ =	shalt  }
0x47: {  	_ =	shalt  }
0x48: {  	_ =	shalt  }
0x49: {  	_ =	shalt  }
0x4a: {  	_ =	shalt  }
0x4b: {  	_ =	shalt  }
0x4c: {  	_ =	shalt  }
0x4d: {  	_ =	shalt  }
0x4e: {  	_ =	shalt  }
0x4f: {  	_ =	shalt  }
0x50: {  	_ =	shalt  }
0x51: {  	_ =	shalt  }
0x52: {  	_ =	shalt  }
0x53: {  	_ =	shalt  }
0x54: {  	_ =	shalt  }
0x55: {  	_ =	shalt  }
0x56: {  	_ =	shalt  }
0x57: {  	_ =	shalt  }
0x58: {  	_ =	shalt  }
0x59: {  	_ =	shalt  }
0x5a: {  	_ =	shalt  }
0x5b: {  	_ =	shalt  }
0x5c: {  	_ =	shalt  }
0x5d: {  	_ =	shalt  }
0x5e: {  	_ =	shalt  }
0x5f: {  	_ =	shalt  }
0x60: {  	_ =	shalt  }
0x61: {  	_ =	shalt  }
0x62: {  	_ =	shalt  }
0x63: {  	_ =	shalt  }
0x64: {  	_ =	shalt  }
0x65: {  	_ =	shalt  }
0x66: {  	_ =	shalt  }
0x67: {  	_ =	shalt  }
0x68: {  	_ =	shalt  }
0x69: {  	_ =	shalt  }
0x6a: {  	_ =	shalt  }
0x6b: {  	_ =	shalt  }
0x6c: {  	_ =	shalt  }
0x6d: {  	_ =	shalt  }
0x6e: {  	_ =	shalt  }
0x6f: {  	_ =	shalt  }
0x70: {  	_ =	shalt  }
0x71: {  	_ =	shalt  }
0x72: {  	_ =	shalt  }
0x73: {  	_ =	shalt  }
0x74: {  	_ =	shalt  }
0x75: {  	_ =	shalt  }
0x76: {  	_ =	shalt  }
0x77: {  	_ =	shalt  }
0x78: {  	_ =	shalt  }
0x79: {  	_ =	shalt  }
0x7a: {  	_ =	shalt  }
0x7b: {  	_ =	shalt  }
0x7c: {  	_ =	shalt  }
0x7d: {  	_ =	shalt  }
0x7e: {  	_ =	shalt  }
0x7f: {  	_ =	shalt  }
0x80: {  	_ =	shalt  }
0x81: {  	_ =	shalt  }
0x82: {  	_ =	shalt  }
0x83: {  	_ =	shalt  }
0x84: {  	_ =	shalt  }
0x85: {  	_ =	shalt  }
0x86: {  	_ =	shalt  }
0x87: {  	_ =	shalt  }
.Lfunc_end0:
.L_simem_size_0:
called_computation_lowered:
.L_overlay_start_0:
0x88: {  	s2 =	sld [smem:$0x3FD9]  }
0x89: {  	s3 =	sld [smem:$0x3FFE];
	_ =	sdelay $0x1  }
0x8a: {  	s1 =	srdreg.scid  }
0x8b: {  	s0 =	sand.u32 $0x1, s1  }
0x8c: {  	s17 =	sshll.u32 s0, $0xA;
	s2 =	sadd.s32 s3, s2  }
0x8d: {  	s2 =	sadd.s32 s2, s17  }
0x8e: {  	[smem:$0x3FB5] =	sst s2  }
0x8f: {  	_ = 	snop  }
0x90: {  	s2 =	sld [smem:$0x3FC9];
	(tm) =	ssettm $0x1  }
0x91: {  	s18 =	sld [smem:$0x3FFB];
	_ =	sdelay $0x3  }
0x92: {  	_ =	strace s18  }
0x93: {  	s3 =	sld [smem:$0x3FFC];
	_ =	sdelay $0x3  }
0x94: {  	_ =	strace s3  }
0x95: {  	s3 =	sld [smem:$0x3FFD];
	_ =	sdelay $0x3  }
0x96: {  	_ =	strace s3  }
0x97: {  	_ =	strace $0x8FFFFFFF  }
0x98: {  	s19 =	sld [smem:$0x3FDB];
	_ =	sdelay $0x1  }
0x99: {  	s4 =	simm.s32 $_scs_section_size  }
0x9a: {  	s5 =	simm.s32 $_size__tile_overlayer_lowered;
	s6 =	simm.s32 $_tile_overlayer_lowered  }
0x9b: {  	s22 =	simm.s32 $0x1BFF;
	s21 =	sshll.u32 s6, $0x1;
	s3 =	sadd.s32 s4, s19  }
0x9c: {  	s7 =	simm.s32 $0x0;
	s20 =	sshll.u32 s5, $0x1;
	s5 =	sadd.s32 s21, s3  }
0x9d: {  	[timem:s7], [sflag:s22] =	dma.local [hbm:s5], s20  }
0x9e: {  	_ =	swait.ge [sflag:s22], s20  }
0x9f: {  	s4 =	ssub.s32 $0x0, s20;
	[sflag:s22] =	ssyncset.done $0x0  }
0xa0: {  	[sflag:s22] =	ssyncadd.s32 s4;
	_ =	sdelay $0x1  }
0xa1: {  	s23 =	simm.s32 $0x1B8B  }
0xa2: {  	_ =	swait.ge [sflag:s23], $0x1  }
0xa3: {  	[sflag:s23] =	ssyncset.done $0x0  }
0xa4: {  	s25 =	simm.s32 $0x1B8E;
	s24 =	sld [smem:$0x3FFE];
	[sflag:s23] =	ssyncadd.s32 $0xFFFFFFFF  }
0xa5: {  	s26 =	simm.s32 $execute0_lowered;
	[smem:$0x3FD2] =	sst s25  }
0xa6: {  	s5 =	sshll.u32 s26, $0x1;
	_ =	strace $0x80000046;
	[dreg:$0x1] =	wrdreg $0xFFFFFFFF  }
0xa7: {  	s28 =	simm.s32 $_size_execute0_lowered;
	s3 =	sadd.s32 s3, s5;
	[dreg:$0x0] =	wrdreg $0x0  }
0xa8: {  	s5 =	sshll.u32 s28, $0x1;
	[dreg:$0x2] =	wrdreg s3  }
0xa9: {  	[dreg:$0x3] =	wrdreg s5  }
0xaa: {  	[dreg:$0x4] =	wrdreg $0xC0  }
0xab: {  	_ =	task [dreg:s7], $0x5FFFF  }
0xac: {  	[dreg:$0x1] =	wrdreg $0xFFFFFFFF  }
0xad: {  	[dreg:$0x0] =	wrdreg $0x60  }
0xae: {  	[dreg:$0x2] =	wrdreg s2  }
0xaf: {  	[dreg:$0x3] =	wrdreg s24  }
0xb0: {  	[dreg:$0x4] =	wrdreg $0x84000  }
0xb1: {  	[dreg:$0x5] =	wrdreg $0x9  }
0xb2: {  	_ =	task.clear_ibuf [dreg:s7], $0x6FFFF;
	_ =	strace $0x90000046  }
0xb3: {  	s29 =	simm.s32 $0x9;
	_ =	strace $0x80000048  }
0xb4: {  	_ =	swait.ge [sflag:s29], $0x1  }
0xb5: {  	[sflag:s29] =	ssyncadd.s32 $0xFFFFFFFF  }
0xb6: {  	_ =	strace $0x90000048  }
0xb7: {  	_ =	sfence  }
0xb8: {  	s30 =	sld [smem:$0x0];
	_ =	sdelay $0x2  }
0xb9: {  	s31 =	sshll.u32 s1, $0xD;
	s1 =	sshrl.u32 s1, $0x2  }
0xba: {  	s3 =	sand.u32 $0x4000, s31;
	s1 =	sadd.s32 s1, s30  }
0xbb: {  	s0 =	sor.u32 s3, s0;
	s1 =	sshll.u32 s1, $0x11  }
0xbc: {  	s0 =	sor.u32 s1, s0  }
0xbd: {  	s0 =	sadd.s32 $0x8F2B, s0  }
0xbe: {  	[sflag:s0] =	ssyncadd.remote.s32 $0x1  }
0xbf: {  	_ =	sfence.sel $0xFFFF  }
0xc0: {  	[dreg:$0x0] =	wrdreg $0xFFFFFFFF;
	(pc) =	sbr.abs _section_cstart, $3  }
0xc1: {  	[dreg:$0x1] =	wrdreg $0xFFFFFFFF  }
0xc2: {  	_ =	task.clear_ibuf [dreg:s7], $0x2FFFF;
	_ =	strace $0x9FFFFFFF  }
0xc3: {  	(tm) =	ssettm $0x7FFFFFFF  }
tec
execute0_lowered:
.L_overlay_start_1:
0x0: {  	(tag) =	ssettag $0x1  }
0x1: {  	s2 =	rddreg [dreg:$0x0]  }
0x2: {  	s0 =	rddreg [dreg:$0x1]  }
0x3: {  	s3 =	rddreg [dreg:$0x2];
	s11 =	stileid.u32  }
0x4: {  	s1 =	srdreg.scid;
	s4 =	simm.s32 $0x0;
	s28 =	simm.s32 $0x3  }
0x5: {  	s29 =	simm.s32 $0x80;
	s30 =	simm.s32 $0x4;
	s5 =	smul.u32 $0x2800, s11  }
0x6: {  	s31 =	simm.s32 $0x180;
	s1 =	sand.u32 $0x1, s1;
	s10 =	smul.u32 $0xA000, s11  }
0x7: {  	[smem:$0x7FF] =	sst s4;
	s8 =	sadd.s32 $0x3000, s0;
	s25 =	smul.u32 $0x50000, s11  }
0x8: {  	s15 =	sshll.u32 s11, $0x6;
	s6 =	smul.u32 $0x28000, s1;
	_ =	strace $0x80000047  }
0x9: {  	s7 =	smul.u32 $0xA0000, s1;
	s1 =	ssub.s32 $0x2, s1;
	s9 =	sadd.s32 s5, s0  }
0xa: {  	s26 =	sshrl.u32 s1, $0x1;
	s12 =	sshrl.u32 s25, $0x2;
	s5 =	sadd.s32 s5, s6  }
0xb: {  	s14 =	sadd.s32 s10, s7;
	s1 =	ssub.s32 s1, s26;
	s17 =	sadd.s32 s12, s3  }
0xc: {  	s16 =	sadd.s32 $0x2B000, s9;
	s7 =	sor.u32 $0x1C05, s15;
	s6 =	simm.s32 $0x0  }
0xd: {  	s0 =	sadd.s32 s5, s0;
	s13 =	sshrl.u32 s14, $0x3;
	[dreg:$0x4] =	wrdreg s16  }
0xe: {  	s21 =	sor.u32 $0x600, s14;
	s12 =	smax.u32 s1, $0x1;
	s23 =	sor.u32 $0x500, s14  }
0xf: {  	s24 =	sor.u32 $0x400, s14;
	s25 =	sor.u32 $0x300, s14;
	s17 =	sshrl.u32 s17, $0x3  }
0x10: {  	s5 =	sadd.s32 s8, s13;
	s11 =	sadd.s32 $0x53000, s0;
	s22 =	sshrl.u32 s21, $0x3  }
0x11: {  	s0 =	sshrl.u32 s23, $0x3;
	s1 =	sshrl.u32 s24, $0x3;
	s26 =	sshrl.u32 s25, $0x3  }
0x12: {  	s21 =	simm.s32 $0x7D;
	s23 =	simm.s32 $0x200;
	s24 =	simm.s32 $0x2  }
0x13: {  	s25 =	simm.s32 $0x4400;
	s18 =	sadd.s32 $0x20, s5;
	s19 =	sadd.s32 $0x40, s5  }
0x14: {  	s20 =	sadd.s32 $0x13E0, s5;
	s13 =	sadd.s32 s22, s8;
	s14 =	sadd.s32 s0, s8  }
0x15: {  	s15 =	sadd.s32 s1, s8;
	s16 =	sadd.s32 s26, s8;
	[dreg:$0x5] =	wrdreg s18  }
0x16: {  	s22 =	simm.s32 $0x400;
	s26 =	simm.s32 $0x300;
	[dreg:$0x6] =	wrdreg s19  }
0x17: {  	s0 =	simm.s32 $0x280;
	s1 =	simm.s32 $0x380;
	[dreg:$0x7] =	wrdreg s20  }
0x18: {  	s18 =	simm.s32 $0x5;
	s19 =	simm.s32 $0x100;
	s20 =	simm.s32 $0x1  }
.LBB2_1:
0x19: {  	s8 =	rddreg [dreg:$0x4]  }
0x1a: {  	[spmem:s17], [sflag:s7] =	dma.local [hbm:s8], $0x2800  }
0x1b: {  	_ =	swait.ge [sflag:s18], $0x2800  }
0x1c: {  	[sflag:s18] =	ssyncset.done $0x0  }
0x1d: {  	[sflag:s18] =	ssyncadd.s32 $0xFFFFD800  }
0x1e: {  	[bflag:$0x0] =	sbarrier.arrive $0xFFFF  }
0x1f: {  	[tilespmem:s4], [sflag:$0x1] =	stream.linear.gather [hbm4b:s5+s4], $0x100, $0x38;
	[tilespmem:$0x1C400] =	vst v63  }
0x20: {  	s9 =	rddreg [dreg:$0x5]  }
0x21: {  	[tilespmem:s19], [sflag:$0x2] =	stream.linear.gather [hbm4b:s9+s4], $0x100, $0x38;
	[tilespmem:$0x1C400] =	vst v63  }
0x22: {  	_ =	swait.ge [sflag:s20], $0x100  }
0x23: {  	[sflag:s20] =	ssyncset.done $0x0  }
0x24: {  	[sflag:s20] =	ssyncadd.s32 $0xFFFFFF00  }
0x25: {  	[tilespmem:s22], [sflag:$0x3] =	stream.indirect.gather [hbm4b:s2+s21], $0x80, s4, s21, $0xb8;
	[tilespmem:$0x1C400] =	vst v63  }
0x26: {  	s10 =	rddreg [dreg:$0x6]  }
0x27: {  	[tilespmem:s23], [sflag:$0x1] =	stream.linear.gather [hbm4b:s10+s4], $0x100, $0x38;
	[tilespmem:$0x1C400] =	vst v63  }
0x28: {  	_ =	swait.ge [sflag:s24], $0x100  }
0x29: {  	[sflag:s24] =	ssyncset.done $0x0  }
0x2a: {  	[sflag:s24] =	ssyncadd.s32 $0xFFFFFF00  }
0x2b: {  	[tilespmem:s25], [sflag:$0x4] =	stream.indirect.gather [hbm4b:s2+s21], $0x80, s19, s21, $0xb8;
	[tilespmem:$0x1C400] =	vst v63  }
0x2c: {  	s9 =	sadd.s32 $0x0, s16  }
0x2d: {  	[tilespmem:s26], [sflag:$0x2] =	stream.linear.gather [hbm4b:s9+s4], $0x100, $0x38;
	[tilespmem:$0x1C400] =	vst v63  }
0x2e: {  	_ =	swait.ge [sflag:s28], $0x3E80  }
0x2f: {  	[sflag:s28] =	ssyncset.done $0x0  }
0x30: {  	[sflag:s28] =	ssyncadd.s32 $0xFFFFC180  }
0x31: {  	[spmem:s3] =	stream.indirect.scatter.add.f32 [tilespmem:s22], [sflag:$0x5], $0x80, s29, s21, $0xb8;
	[tilespmem:$0x1C400] =	vst v63  }
0x32: {  	_ =	swait.ge [sflag:s18], $0x3E80  }
0x33: {  	[sflag:s18] =	ssyncset.done $0x0  }
0x34: {  	[sflag:s18] =	ssyncadd.s32 $0xFFFFC180  }
0x35: {  	_ =	swait.ge [sflag:s20], $0x100  }
0x36: {  	[sflag:s20] =	ssyncset.done $0x0  }
0x37: {  	[sflag:s20] =	ssyncadd.s32 $0xFFFFFF00  }
0x38: {  	[tilespmem:s22], [sflag:$0x3] =	stream.indirect.gather [hbm4b:s2+s21], $0x80, s23, s21, $0xb8;
	[tilespmem:$0x1C400] =	vst v63  }
0x39: {  	s10 =	sadd.s32 $0x0, s15  }
0x3a: {  	[tilespmem:s4], [sflag:$0x1] =	stream.linear.gather [hbm4b:s10+s4], $0x100, $0x38;
	[tilespmem:$0x1C400] =	vst v63  }
0x3b: {  	_ =	swait.ge [sflag:s30], $0x3E80  }
0x3c: {  	[sflag:s30] =	ssyncset.done $0x0  }
0x3d: {  	[sflag:s30] =	ssyncadd.s32 $0xFFFFC180  }
0x3e: {  	[spmem:s3] =	stream.indirect.scatter.add.f32 [tilespmem:s25], [sflag:$0x5], $0x80, s31, s21, $0xb8;
	[tilespmem:$0x1C400] =	vst v63  }
0x3f: {  	_ =	swait.ge [sflag:s18], $0x3E80  }
0x40: {  	[sflag:s18] =	ssyncset.done $0x0  }
0x41: {  	[sflag:s18] =	ssyncadd.s32 $0xFFFFC180  }
0x42: {  	_ =	swait.ge [sflag:s24], $0x100  }
0x43: {  	[sflag:s24] =	ssyncset.done $0x0  }
0x44: {  	[sflag:s24] =	ssyncadd.s32 $0xFFFFFF00  }
0x45: {  	[tilespmem:s25], [sflag:$0x4] =	stream.indirect.gather [hbm4b:s2+s21], $0x80, s26, s21, $0xb8;
	[tilespmem:$0x1C400] =	vst v63  }
0x46: {  	s9 =	sadd.s32 $0x0, s14  }
0x47: {  	[tilespmem:s19], [sflag:$0x2] =	stream.linear.gather [hbm4b:s9+s4], $0x100, $0x38;
	[tilespmem:$0x1C400] =	vst v63  }
0x48: {  	_ =	swait.ge [sflag:s28], $0x3E80  }
0x49: {  	[sflag:s28] =	ssyncset.done $0x0  }
0x4a: {  	[sflag:s28] =	ssyncadd.s32 $0xFFFFC180  }
0x4b: {  	[spmem:s3] =	stream.indirect.scatter.add.f32 [tilespmem:s22], [sflag:$0x5], $0x80, s0, s21, $0xb8;
	[tilespmem:$0x1C400] =	vst v63  }
0x4c: {  	_ =	swait.ge [sflag:s18], $0x3E80  }
0x4d: {  	[sflag:s18] =	ssyncset.done $0x0  }
0x4e: {  	[sflag:s18] =	ssyncadd.s32 $0xFFFFC180  }
0x4f: {  	_ =	swait.ge [sflag:s20], $0x100  }
0x50: {  	[sflag:s20] =	ssyncset.done $0x0  }
0x51: {  	[sflag:s20] =	ssyncadd.s32 $0xFFFFFF00  }
0x52: {  	[tilespmem:s22], [sflag:$0x3] =	stream.indirect.gather [hbm4b:s2+s21], $0x80, s4, s21, $0xb8;
	[tilespmem:$0x1C400] =	vst v63  }
0x53: {  	s10 =	sadd.s32 $0x0, s13  }
0x54: {  	[tilespmem:s23], [sflag:$0x1] =	stream.linear.gather [hbm4b:s10+s4], $0x100, $0x38;
	[tilespmem:$0x1C400] =	vst v63  }
0x55: {  	_ =	swait.ge [sflag:s30], $0x3E80  }
0x56: {  	[sflag:s30] =	ssyncset.done $0x0  }
0x57: {  	[sflag:s30] =	ssyncadd.s32 $0xFFFFC180  }
0x58: {  	[spmem:s3] =	stream.indirect.scatter.add.f32 [tilespmem:s25], [sflag:$0x5], $0x80, s1, s21, $0xb8;
	[tilespmem:$0x1C400] =	vst v63  }
0x59: {  	_ =	swait.ge [sflag:s18], $0x3E80  }
0x5a: {  	s8 =	simm.s32 $0x80;
	[sflag:s18] =	ssyncset.done $0x0  }
.LBB2_2:
0x5b: {  	p0 =	sne.s32 s8, $0x1300  }
0x5c: {  	[sflag:s18] =	ssyncadd.s32 $0xFFFFC180;
	s9 =	smov.u32 s8;
	s8 =	sadd.s32 $0x80, s8  }
0x5d: {  	_ =	swait.ge [sflag:s24], $0x100  }
0x5e: {  	[sflag:s24] =	ssyncset.done $0x0  }
0x5f: {  	[sflag:s24] =	ssyncadd.s32 $0xFFFFFF00  }
0x60: {  	[tilespmem:s25], [sflag:$0x4] =	stream.indirect.gather [hbm4b:s2+s21], $0x80, s19, s21, $0xb8;
	[tilespmem:$0x1C400] =	vst v63  }
0x61: {  	s10 =	sadd.s32 s9, s16  }
0x62: {  	[tilespmem:s26], [sflag:$0x2] =	stream.linear.gather [hbm4b:s10+s4], $0x100, $0x38;
	[tilespmem:$0x1C400] =	vst v63  }
0x63: {  	_ =	swait.ge [sflag:s28], $0x3E80  }
0x64: {  	[sflag:s28] =	ssyncset.done $0x0  }
0x65: {  	[sflag:s28] =	ssyncadd.s32 $0xFFFFC180  }
0x66: {  	[spmem:s3] =	stream.indirect.scatter.add.f32 [tilespmem:s22], [sflag:$0x5], $0x80, s29, s21, $0xb8;
	[tilespmem:$0x1C400] =	vst v63  }
0x67: {  	_ =	swait.ge [sflag:s18], $0x3E80  }
0x68: {  	[sflag:s18] =	ssyncset.done $0x0  }
0x69: {  	[sflag:s18] =	ssyncadd.s32 $0xFFFFC180  }
0x6a: {  	_ =	swait.ge [sflag:s20], $0x100  }
0x6b: {  	[sflag:s20] =	ssyncset.done $0x0  }
0x6c: {  	[sflag:s20] =	ssyncadd.s32 $0xFFFFFF00  }
0x6d: {  	[tilespmem:s22], [sflag:$0x3] =	stream.indirect.gather [hbm4b:s2+s21], $0x80, s23, s21, $0xb8;
	[tilespmem:$0x1C400] =	vst v63  }
0x6e: {  	s10 =	sadd.s32 s9, s15  }
0x6f: {  	[tilespmem:s4], [sflag:$0x1] =	stream.linear.gather [hbm4b:s10+s4], $0x100, $0x38;
	[tilespmem:$0x1C400] =	vst v63  }
0x70: {  	_ =	swait.ge [sflag:s30], $0x3E80  }
0x71: {  	[sflag:s30] =	ssyncset.done $0x0  }
0x72: {  	[sflag:s30] =	ssyncadd.s32 $0xFFFFC180  }
0x73: {  	[spmem:s3] =	stream.indirect.scatter.add.f32 [tilespmem:s25], [sflag:$0x5], $0x80, s31, s21, $0xb8;
	[tilespmem:$0x1C400] =	vst v63  }
0x74: {  	_ =	swait.ge [sflag:s18], $0x3E80  }
0x75: {  	[sflag:s18] =	ssyncset.done $0x0  }
0x76: {  	[sflag:s18] =	ssyncadd.s32 $0xFFFFC180  }
0x77: {  	_ =	swait.ge [sflag:s24], $0x100  }
0x78: {  	[sflag:s24] =	ssyncset.done $0x0  }
0x79: {  	[sflag:s24] =	ssyncadd.s32 $0xFFFFFF00  }
0x7a: {  	[tilespmem:s25], [sflag:$0x4] =	stream.indirect.gather [hbm4b:s2+s21], $0x80, s26, s21, $0xb8;
	[tilespmem:$0x1C400] =	vst v63  }
0x7b: {  	s10 =	sadd.s32 s9, s14  }
0x7c: {  	[tilespmem:s19], [sflag:$0x2] =	stream.linear.gather [hbm4b:s10+s4], $0x100, $0x38;
	[tilespmem:$0x1C400] =	vst v63  }
0x7d: {  	_ =	swait.ge [sflag:s28], $0x3E80  }
0x7e: {  	[sflag:s28] =	ssyncset.done $0x0  }
0x7f: {  	[sflag:s28] =	ssyncadd.s32 $0xFFFFC180  }
0x80: {  	[spmem:s3] =	stream.indirect.scatter.add.f32 [tilespmem:s22], [sflag:$0x5], $0x80, s0, s21, $0xb8;
	[tilespmem:$0x1C400] =	vst v63  }
0x81: {  	_ =	swait.ge [sflag:s18], $0x3E80  }
0x82: {  	[sflag:s18] =	ssyncset.done $0x0  }
0x83: {  	[sflag:s18] =	ssyncadd.s32 $0xFFFFC180  }
0x84: {  	_ =	swait.ge [sflag:s20], $0x100  }
0x85: {  	[sflag:s20] =	ssyncset.done $0x0  }
0x86: {  	[sflag:s20] =	ssyncadd.s32 $0xFFFFFF00  }
0x87: {  	[tilespmem:s22], [sflag:$0x3] =	stream.indirect.gather [hbm4b:s2+s21], $0x80, s4, s21, $0xb8;
	[tilespmem:$0x1C400] =	vst v63  }
0x88: {  	s9 =	sadd.s32 s9, s13  }
0x89: {  	[tilespmem:s23], [sflag:$0x1] =	stream.linear.gather [hbm4b:s9+s4], $0x100, $0x38;
	[tilespmem:$0x1C400] =	vst v63  }
0x8a: {  	_ =	swait.ge [sflag:s30], $0x3E80  }
.Ltmp0:
0x8b: {  	[sflag:s30] =	ssyncset.done $0x0;
	(pc) =	sbr.rel @p0 .LBB2_2-.Ltmp0, $4  }
0x8c: {  	[sflag:s30] =	ssyncadd.s32 $0xFFFFC180  }
0x8d: {  	[spmem:s3] =	stream.indirect.scatter.add.f32 [tilespmem:s25], [sflag:$0x5], $0x80, s1, s21, $0xb8;
	[tilespmem:$0x1C400] =	vst v63  }
0x8e: {  	_ =	swait.ge [sflag:s18], $0x3E80  }
0x8f: {  	[sflag:s18] =	ssyncset.done $0x0  }
0x90: {  	[sflag:s18] =	ssyncadd.s32 $0xFFFFC180  }
0x91: {  	_ =	swait.ge [sflag:s24], $0x100  }
0x92: {  	[sflag:s24] =	ssyncset.done $0x0  }
0x93: {  	[sflag:s24] =	ssyncadd.s32 $0xFFFFFF00  }
0x94: {  	[tilespmem:s25], [sflag:$0x4] =	stream.indirect.gather [hbm4b:s2+s21], $0x80, s19, s21, $0xb8;
	[tilespmem:$0x1C400] =	vst v63  }
0x95: {  	s8 =	rddreg [dreg:$0x7]  }
0x96: {  	[tilespmem:s26], [sflag:$0x2] =	stream.linear.gather [hbm4b:s8+s4], $0x100, $0x38;
	[tilespmem:$0x1C400] =	vst v63  }
0x97: {  	_ =	swait.ge [sflag:s28], $0x3E80  }
0x98: {  	[sflag:s28] =	ssyncset.done $0x0  }
0x99: {  	[sflag:s28] =	ssyncadd.s32 $0xFFFFC180  }
0x9a: {  	[spmem:s3] =	stream.indirect.scatter.add.f32 [tilespmem:s22], [sflag:$0x5], $0x80, s29, s21, $0xb8;
	[tilespmem:$0x1C400] =	vst v63  }
0x9b: {  	_ =	swait.ge [sflag:s18], $0x3E80  }
0x9c: {  	[sflag:s18] =	ssyncset.done $0x0  }
0x9d: {  	[sflag:s18] =	ssyncadd.s32 $0xFFFFC180  }
0x9e: {  	_ =	swait.ge [sflag:s20], $0x100  }
0x9f: {  	[sflag:s20] =	ssyncset.done $0x0  }
0xa0: {  	[sflag:s20] =	ssyncadd.s32 $0xFFFFFF00  }
0xa1: {  	[tilespmem:s22], [sflag:$0x3] =	stream.indirect.gather [hbm4b:s2+s21], $0x80, s23, s21, $0xb8;
	[tilespmem:$0x1C400] =	vst v63  }
0xa2: {  	_ =	swait.ge [sflag:s30], $0x3E80  }
0xa3: {  	[sflag:s30] =	ssyncset.done $0x0  }
0xa4: {  	[sflag:s30] =	ssyncadd.s32 $0xFFFFC180  }
0xa5: {  	[spmem:s3] =	stream.indirect.scatter.add.f32 [tilespmem:s25], [sflag:$0x5], $0x80, s31, s21, $0xb8;
	[tilespmem:$0x1C400] =	vst v63  }
0xa6: {  	_ =	swait.ge [sflag:s18], $0x3E80  }
0xa7: {  	[sflag:s18] =	ssyncset.done $0x0  }
0xa8: {  	[sflag:s18] =	ssyncadd.s32 $0xFFFFC180  }
0xa9: {  	_ =	swait.ge [sflag:s24], $0x100  }
0xaa: {  	[sflag:s24] =	ssyncset.done $0x0  }
0xab: {  	[sflag:s24] =	ssyncadd.s32 $0xFFFFFF00  }
0xac: {  	[tilespmem:s25], [sflag:$0x4] =	stream.indirect.gather [hbm4b:s2+s21], $0x80, s26, s21, $0xb8;
	[tilespmem:$0x1C400] =	vst v63  }
0xad: {  	_ =	swait.ge [sflag:s28], $0x3E80  }
0xae: {  	[sflag:s28] =	ssyncset.done $0x0  }
0xaf: {  	[sflag:s28] =	ssyncadd.s32 $0xFFFFC180  }
0xb0: {  	[spmem:s3] =	stream.indirect.scatter.add.f32 [tilespmem:s22], [sflag:$0x5], $0x80, s0, s21, $0xb8;
	[tilespmem:$0x1C400] =	vst v63  }
0xb1: {  	_ =	swait.ge [sflag:s18], $0x3E80  }
0xb2: {  	[sflag:s18] =	ssyncset.done $0x0  }
0xb3: {  	[sflag:s18] =	ssyncadd.s32 $0xFFFFC180  }
0xb4: {  	_ =	swait.ge [sflag:s30], $0x3E80  }
0xb5: {  	[sflag:s30] =	ssyncset.done $0x0  }
0xb6: {  	[sflag:s30] =	ssyncadd.s32 $0xFFFFC180  }
0xb7: {  	[spmem:s3] =	stream.indirect.scatter.add.f32 [tilespmem:s25], [sflag:$0x5], $0x80, s1, s21, $0xb8;
	[tilespmem:$0x1C400] =	vst v63  }
0xb8: {  	_ =	swait.ge [sflag:s18], $0x3E80  }
0xb9: {  	s6 =	sadd.s32 $0x1, s6;
	[sflag:s18] =	ssyncset.done $0x0  }
0xba: {  	p0 =	sne.s32 s6, s12;
	[sflag:s18] =	ssyncadd.s32 $0xFFFFC180  }
.Ltmp1:
0xbb: {  	[bflag:$0x0] =	sbarrier.arrive $0xFFFF;
	(pc) =	sbr.rel @p0 .LBB2_1-.Ltmp1, $4  }
0xbc: {  	[hbm:s11], [sflag:s7] =	dma.local [spmem:s17], $0x2800  }
0xbd: {  	_ =	swait.ge [sflag:s18], $0x2800  }
0xbe: {  	[sflag:s18] =	ssyncset.done $0x0  }
0xbf: {  	[sflag:s18] =	ssyncadd.s32 $0xFFFFD800  }
0xc0: {  	_ =	sfence.sel $0x180000  }
0xc1: {  	[bflag:$0x0] =	sbarrier.arrive $0xFFFF  }
0xc2: {  	_ =	strace $0x90000047  }
0xc3: {  	s0 =	stileid.u32;
	[bflag:$0x2] =	sbarrier.arrive $0xFFFF  }
0xc4: {  	p0 =	sne.s32 s0, $0x0;
	s0 =	rddreg [dreg:$0x3]  }
0xc5: {  	s0 =	sadd.s32 @!p0 $0x100000, s0  }
0xc6: {  	[sflag:s0] =	ssyncadd.tile.s32 @!p0 $0x1;
	_ =	shalt  }
.Lfunc_end2:
_tile_overlayer_lowered:
.L_overlay_start_2:
0xc7: {  	(tag) =	ssettag $0x2  }
0xc8: {  	s0 =	rddreg [dreg:$0x0];
	s2 =	stileid.u32  }
0xc9: {  	s1 =	rddreg [dreg:$0x1];
	p0 =	sne.s32 s2, $0x0  }
0xca: {  	s3 =	rddreg [dreg:$0x2];
	[bflag:$0x3] =	sbarrier.arrive $0xFFFF;
	s2 =	simm.s32 @!p0 $0x1C05  }
0xcb: {  	[timem:s3], [sflag:s2] =	dma.local @!p0 [hbm:s0], s1  }
0xcc: {  	s0 =	simm.s32 @!p0 $0x5  }
0xcd: {  	_ =	swait.ge @!p0 [sflag:s0], s1  }
0xce: {  	s1 =	ssub.s32 @!p0 $0x0, s1;
	[sflag:s0] =	ssyncset.done @!p0 $0x0  }
0xcf: {  	[sflag:s0] =	ssyncadd.s32 @!p0 s1  }
0xd0: {  	[bflag:$0x3] =	sbarrier.arrive $0xFFFF  }
0xd1: {  	_ =	shalt  }

</sc_bundles>
